<compile_context>
chip_gen: v7x
topology: tpu7x:2x2x1
jax: 0.10.2.dev20260603
libtpu: 0.0.44.dev20260713+nightly
codegen_flags: <defaults>
</compile_context>

<pallas_src>
import functools

import jax
import jax.numpy as jnp
from jax import lax
from jax.experimental import pallas as pl
from jax.experimental.pallas import tpu as pltpu
from jax.experimental.pallas import tpu_sc as plsc

NC = 2
NS = 16
LANES = 16
K = 128
HC = 8
S0 = 17
S1 = 3


def _sc_mesh():
    return plsc.VectorSubcoreMesh(core_axis_name="c", subcore_axis_name="s")


@functools.cache
def _hist_kernel(E, N, NL):
    per_w = E // (NC * NS)
    n16 = NL // LANES
    e16 = per_w // LANES

    @functools.partial(
        pl.kernel,
        out_type=jax.ShapeDtypeStruct((NC * NS, NL), jnp.float32),
        mesh=_sc_mesh(),
        scratch_types=[
            pltpu.VMEM((per_w,), jnp.int32),
            pltpu.VMEM((NL,), jnp.float32),
        ],
        compiler_params=pltpu.CompilerParams(needs_layout_passes=False),
    )
    def hist(dst_hbm, out_hbm, idx_v, hist_v):
        c = lax.axis_index("c")
        s = lax.axis_index("s")
        w = c * NS + s

        def zero_body(i, carry):
            hist_v[pl.ds(i * LANES, LANES)] = jnp.zeros((LANES,), jnp.float32)
            return carry

        lax.fori_loop(0, n16, zero_body, 0)

        pltpu.sync_copy(dst_hbm.at[pl.ds(w * per_w, per_w)], idx_v)
        ones = jnp.ones((LANES,), jnp.float32)

        def acc_body(i, carry):
            idxs = idx_v[pl.ds(i * LANES, LANES)]
            plsc.addupdate_scatter(hist_v, [idxs], ones)
            return carry

        lax.fori_loop(0, e16, acc_body, 0)

        pltpu.sync_copy(hist_v, out_hbm.at[w])

    return hist


@functools.cache
def _agg_kernel(n_slab, hc, N, D):
    NROWS = 10240
    STR = NROWS // NS

    @functools.partial(
        pl.kernel,
        out_type=jax.ShapeDtypeStruct((NC, N, D), jnp.float32),
        mesh=_sc_mesh(),
        scratch_types=[
            pltpu.VMEM((2, hc, K), jnp.int32),
            pltpu.VMEM((2, hc, K), jnp.int32),
            pltpu.VMEM((K, D), jnp.float32),
            pltpu.VMEM((K, D), jnp.float32),
            pltpu.VMEM_SHARED((NROWS, D), jnp.float32),
            pltpu.SemaphoreType.DMA,
            pltpu.SemaphoreType.DMA,
            pltpu.SemaphoreType.DMA,
        ],
    )
    def agg(g_hbm, zeros_hbm, src_hbm, dst_hbm, out_hbm,
            sidx2, didx2, rows0, rows1, acc_s, sem0, sem1, isem):
        c = lax.axis_index("c")
        s = lax.axis_index("s")

        pltpu.sync_copy(zeros_hbm, acc_s.at[pl.ds(s * STR, STR)])
        plsc.subcore_barrier()

        my_slabs = jnp.where(c == 0, S0, S1)
        slab_base = jnp.where(c == 0, s * S0, NS * S0 + s * S1)

        def load_slab_p(h, par):
            slab = slab_base + h
            pltpu.async_copy(src_hbm.at[slab], sidx2.at[par], isem)
            pltpu.async_copy(dst_hbm.at[slab], didx2.at[par], isem)

        def wait_slab_p(h, par):
            slab = slab_base + h
            pltpu.make_async_copy(src_hbm.at[slab], sidx2.at[par], isem).wait()
            pltpu.make_async_copy(dst_hbm.at[slab], didx2.at[par], isem).wait()

        @pl.when(my_slabs > 0)
        def _():
            pltpu.sync_copy(src_hbm.at[slab_base], sidx2.at[0])
            pltpu.sync_copy(dst_hbm.at[slab_base], didx2.at[0])

        def do_slab(h, par):
            sidx, didx = sidx2.at[par], didx2.at[par]

            @pl.when(h > 0)
            def _():
                wait_slab_p(h, par)

            @pl.when(h + 1 < my_slabs)
            def _():
                load_slab_p(h + 1, 1 - par)

            pltpu.async_copy(g_hbm.at[sidx.at[0]], rows0, sem0)

            def pair_body(i, carry):
                e0 = 2 * i
                e1 = e0 + 1
                e2 = e0 + 2
                pltpu.async_copy(g_hbm.at[sidx.at[e1]], rows1, sem1)
                pltpu.make_async_copy(g_hbm.at[sidx.at[e0]], rows0, sem0).wait()
                pltpu.sync_copy(rows0, acc_s.at[didx.at[e0]], add=True)

                @pl.when(e2 < hc)
                def _():
                    pltpu.async_copy(g_hbm.at[sidx.at[e2]], rows0, sem0)

                pltpu.make_async_copy(g_hbm.at[sidx.at[e1]], rows1, sem1).wait()
                pltpu.sync_copy(rows1, acc_s.at[didx.at[e1]], add=True)
                return carry

            lax.fori_loop(0, hc // 2, pair_body, 0)

        def slab_pair(ip, carry):
            for par in (0, 1):
                h = 2 * ip + par

                @pl.when(h < my_slabs)
                def _(h=h, par=par):
                    do_slab(h, par)
            return carry

        lax.fori_loop(0, (max(S0, S1) + 1) // 2, slab_pair, 0)
        plsc.subcore_barrier()

        @pl.when(s < NS - 1)
        def _():
            pltpu.sync_copy(acc_s.at[pl.ds(s * STR, STR)],
                            out_hbm.at[c, pl.ds(s * STR, STR)])

        last = N - (NS - 1) * STR

        @pl.when(s == NS - 1)
        def _():
            pltpu.sync_copy(acc_s.at[pl.ds((NS - 1) * STR, last)],
                            out_hbm.at[c, pl.ds((NS - 1) * STR, last)])

    return agg


@functools.cache
def _prescale_call(N, D, NL):
    R = 1024
    G = NL // R

    def body(h_ref, x_ref, dinv_ref, g_ref):
        ones = jnp.ones((NC * NS, 1), jnp.float32)
        deg = lax.dot_general(h_ref[...], ones, (((0,), (0,)), ((), ())),
                              preferred_element_type=jnp.float32,
                              precision=lax.Precision.HIGHEST) + 1.0
        dv = lax.rsqrt(deg)
        dinv_ref[...] = dv
        g_ref[...] = dv * x_ref[...]

    return pl.pallas_call(
        body,
        grid=(G,),
        in_specs=[
            pl.BlockSpec((NC * NS, R), lambda i: (0, i)),
            pl.BlockSpec((R, D), lambda i: (i, 0)),
        ],
        out_specs=[
            pl.BlockSpec((R, 1), lambda i: (i, 0)),
            pl.BlockSpec((R, D), lambda i: (i, 0)),
        ],
        out_shape=[
            jax.ShapeDtypeStruct((NL, 1), jnp.float32),
            jax.ShapeDtypeStruct((N, D), jnp.float32),
        ],
    )


@functools.cache
def _finalize_call(N, D):
    R = 400
    G = N // R

    def body(x_ref, g_ref, acc_ref, dv_ref, w_ref, b_ref, o_ref):
        S = (acc_ref[0, :, :] + acc_ref[1, :, :] + g_ref[...]) * dv_ref[...]
        T = jnp.dot(S, w_ref[...], preferred_element_type=jnp.float32,
                    precision=lax.Precision.HIGHEST)
        o_ref[...] = x_ref[...] + jnp.maximum(T + b_ref[...], 0.0)

    return pl.pallas_call(
        body,
        grid=(G,),
        in_specs=[
            pl.BlockSpec((R, D), lambda i: (i, 0)),
            pl.BlockSpec((R, D), lambda i: (i, 0)),
            pl.BlockSpec((NC, R, D), lambda i: (0, i, 0)),
            pl.BlockSpec((R, 1), lambda i: (i, 0)),
            pl.BlockSpec((D, D), lambda i: (0, 0)),
            pl.BlockSpec((1, D), lambda i: (0, 0)),
        ],
        out_specs=pl.BlockSpec((R, D), lambda i: (i, 0)),
        out_shape=jax.ShapeDtypeStruct((N, D), jnp.float32),
    )


@jax.jit
def kernel(x, edge_index, W, b):
    N, D = x.shape
    E = edge_index.shape[1]
    src = edge_index[0]
    dst = edge_index[1]

    NL = 10240
    hist = _hist_kernel(E, N, NL)(dst)
    dinv, g = _prescale_call(N, D, NL)(hist, x)

    n_slab = NS * (S0 + S1)
    pad = n_slab * HC * K - E
    assert pad >= 0
    src_p = jnp.concatenate([src, jnp.zeros((pad,), src.dtype)])
    dst_p = jnp.concatenate([dst, jnp.full((pad,), N, dst.dtype)])
    zeros = jnp.zeros((10240 // NS, D), jnp.float32)
    acc = _agg_kernel(n_slab, HC, N, D)(
        g, zeros, src_p.reshape(n_slab, HC, K),
        dst_p.reshape(n_slab, HC, K))
    return _finalize_call(N, D)(x, g, acc, dinv, W, b.reshape(1, D))

# --- scband reference (transcript-rebuilt; emitter-appended) ---
"""Pipeline reference for scband-gcnconv-layer-6820408066750 (READ-ONLY COPY).

The authoritative reference and input builder live on the scoring server;
editing this copy changes nothing except your own understanding.
"""

import jax, jax.numpy as jnp
import numpy as np

N = 10000
E = 320000
D = 128


def setup_inputs(seed: int = 0) -> dict:
    key = jax.random.key(seed)
    k1, k2, k3 = jax.random.split(key, 3)
    x = jax.random.normal(k1, (N, D), dtype=jnp.float32)
    edge_index = jax.random.randint(k2, (2, E), 0, N)
    W = jax.random.normal(k3, (D, D), dtype=jnp.float32) * 0.05
    b = jnp.zeros((D,), dtype=jnp.float32)
    return {"x": x, "edge_index": edge_index, "W": W, "b": b}


def reference(x, edge_index, W, b):
    src = edge_index[0]
    dst = edge_index[1]
    # GCNConv: add self-loops, symmetric normalization deg^-1/2 A deg^-1/2
    loop = jnp.arange(N, dtype=src.dtype)
    src_sl = jnp.concatenate([src, loop], axis=0)
    dst_sl = jnp.concatenate([dst, loop], axis=0)
    deg = jnp.zeros((N,), dtype=x.dtype).at[dst_sl].add(1.0)
    dinv = jnp.where(deg > 0, jax.lax.rsqrt(jnp.maximum(deg, 1e-12)), 0.0)
    norm = dinv[src_sl] * dinv[dst_sl]

    def gcn_conv(h):
        hw = h @ W
        msg = hw[src_sl] * norm[:, None]
        agg = jnp.zeros((N, D), dtype=h.dtype).at[dst_sl].add(msg)
        return agg + b

    # forward calls self.model twice (same weights, same inputs)
    x1 = gcn_conv(x)
    x2 = gcn_conv(x)
    # MyCrossover(0.5): 50/50 elementwise mix of the two branches
    h = 0.5 * x1 + 0.5 * x2
    # act = ReLU (cfg.gnn.act default) + Dropout(0.0) == identity in eval
    h = jax.nn.relu(h)
    # residual
    out = x + h
    return out

if __name__ == "__main__":
    import jax
    _d = setup_inputs()
    print(jax.jit(kernel)(*tuple(_d.values())))

</pallas_src>

<mosaic_0001>
#map = affine_map<(d0, d1) -> (0, 0)>
#map1 = affine_map<(d0, d1) -> (0, 0, 0)>
module attributes {stable_mosaic.version = 14 : i64} {
  func.func @agg(%arg0: i32, %arg1: i32, %arg2: memref<10000x128xf32, #tpu.memory_space<hbm>>, %arg3: memref<640x128xf32, #tpu.memory_space<hbm>>, %arg4: memref<320x8x128xi32, #tpu.memory_space<hbm>>, %arg5: memref<320x8x128xi32, #tpu.memory_space<hbm>>, %arg6: memref<2x10000x128xf32, #tpu.memory_space<hbm>>, %arg7: memref<2x8x128xi32, #tpu.memory_space<vmem>>, %arg8: memref<2x8x128xi32, #tpu.memory_space<vmem>>, %arg9: memref<128x128xf32, #tpu.memory_space<vmem>>, %arg10: memref<128x128xf32, #tpu.memory_space<vmem>>, %arg11: memref<10240x128xf32, #tpu.memory_space<vmem_shared>>, %arg12: memref<!tpu.dma_semaphore, #tpu.memory_space<semaphore_mem>>, %arg13: memref<!tpu.dma_semaphore, #tpu.memory_space<semaphore_mem>>, %arg14: memref<!tpu.dma_semaphore, #tpu.memory_space<semaphore_mem>>) attributes {dimension_semantics = [#tpu.dimension_semantics<core_parallel>, #tpu.dimension_semantics<subcore_parallel>], iteration_bounds = array<i64: 2, 16>, scalar_prefetch = 0 : i64, scratch_operands = 8 : i64, tpu.core_type = #tpu.core_type<sc_vector_subcore>, window_params = [{transform_indices = #map}, {transform_indices = #map}, {transform_indices = #map1}, {transform_indices = #map1}, {transform_indices = #map1}]} {
    %mul3A = arith.constant 640 : i32
    %mul3A_0 = arith.muli %arg1, %mul3A : i32
    "tpu.region"() ({
      %run_scoped3A = tpu.sem_alloc : memref<!tpu.dma_semaphore, #tpu.memory_space<semaphore_mem>>
      %dma_start3A = arith.constant 0 : i32
      %dma_start3A_28 = tpu.memref_slice %arg11[%mul3A_0, %dma_start3A] : memref<10240x128xf32, #tpu.memory_space<vmem_shared>> -> memref<640x128xf32, #tpu.memory_space<vmem_shared>>
      tpu.enqueue_dma source(%arg3 : memref<640x128xf32, #tpu.memory_space<hbm>>) target(%dma_start3A_28 : memref<640x128xf32, #tpu.memory_space<vmem_shared>>) target_semaphore(%run_scoped3A : memref<!tpu.dma_semaphore, #tpu.memory_space<semaphore_mem>>)
      %dma_wait3A = arith.constant 0 : i32
      %dma_wait3A_29 = tpu.memref_slice %arg11[%mul3A_0, %dma_wait3A] : memref<10240x128xf32, #tpu.memory_space<vmem_shared>> -> memref<640x128xf32, #tpu.memory_space<vmem_shared>>
      tpu.wait_dma2 semaphore(%run_scoped3A : memref<!tpu.dma_semaphore, #tpu.memory_space<semaphore_mem>>) src(%arg3 : memref<640x128xf32, #tpu.memory_space<hbm>>) dst(%dma_wait3A_29 : memref<640x128xf32, #tpu.memory_space<vmem_shared>>)
      tpu.yield
    }) : () -> ()
    %barrier3A = arith.constant 0 : index
    tpu.barrier barrier_id(%barrier3A)
    %eq3A = arith.constant 0 : i32
    %eq3A_1 = arith.cmpi eq, %arg0, %eq3A : i32
    %jit3A = arith.constant 17 : i32
    %jit3A_2 = arith.constant 3 : i32
    %select_n3A = arith.select %eq3A_1, %jit3A, %jit3A_2 : i32
    %eq3A_3 = arith.constant 0 : i32
    %eq3A_4 = arith.cmpi eq, %arg0, %eq3A_3 : i32
    %mul3A_5 = arith.constant 17 : i32
    %mul3A_6 = arith.muli %arg1, %mul3A_5 : i32
    %mul3A_7 = arith.constant 3 : i32
    %mul3A_8 = arith.muli %arg1, %mul3A_7 : i32
    %add3A = arith.constant 272 : i32
    %add3A_9 = arith.addi %add3A, %mul3A_8 : i32
    %select_n3A_10 = arith.select %eq3A_4, %mul3A_6, %add3A_9 : i32
    %gt3A = arith.constant 0 : i32
    %gt3A_11 = arith.cmpi sgt, %select_n3A, %gt3A : i32
    %convert_element_type3A = arith.extui %gt3A_11 : i1 to i32
    %cond3A = arith.constant 0 : i32
    %cond3A_12 = arith.cmpi ne, %convert_element_type3A, %cond3A : i32
    scf.if %cond3A_12 {
      %run_scoped3A = arith.constant 0 : i32
      "tpu.region"() ({
        %run_scoped3A_29 = tpu.sem_alloc : memref<!tpu.dma_semaphore, #tpu.memory_space<semaphore_mem>>
        %dma_start3A = arith.constant 0 : i32
        %dma_start3A_30 = arith.constant 0 : i32
        %dma_start3A_31 = tpu.memref_slice %arg7[%run_scoped3A, %dma_start3A, %dma_start3A_30] : memref<2x8x128xi32, #tpu.memory_space<vmem>> -> memref<1x8x128xi32, #tpu.memory_space<vmem>>
        %dma_start3A_32 = tpu.memref_squeeze %dma_start3A_31 : memref<1x8x128xi32, #tpu.memory_space<vmem>> -> memref<8x128xi32, #tpu.memory_space<vmem>>
        %dma_start3A_33 = arith.constant 0 : i32
        %dma_start3A_34 = arith.constant 0 : i32
        %dma_start3A_35 = tpu.memref_slice %arg4[%select_n3A_10, %dma_start3A_33, %dma_start3A_34] : memref<320x8x128xi32, #tpu.memory_space<hbm>> -> memref<1x8x128xi32, #tpu.memory_space<hbm>>
        %dma_start3A_36 = tpu.memref_squeeze %dma_start3A_35 : memref<1x8x128xi32, #tpu.memory_space<hbm>> -> memref<8x128xi32, #tpu.memory_space<hbm>>
        %dma_start3A_37 = arith.constant 0 : i32
        %dma_start3A_38 = arith.constant 0 : i32
        %dma_start3A_39 = tpu.memref_slice %arg7[%run_scoped3A, %dma_start3A_37, %dma_start3A_38] : memref<2x8x128xi32, #tpu.memory_space<vmem>> -> memref<1x8x128xi32, #tpu.memory_space<vmem>>
        %dma_start3A_40 = tpu.memref_squeeze %dma_start3A_39 : memref<1x8x128xi32, #tpu.memory_space<vmem>> -> memref<8x128xi32, #tpu.memory_space<vmem>>
        %dma_start3A_41 = arith.constant 0 : i32
        %dma_start3A_42 = arith.constant 0 : i32
        %dma_start3A_43 = tpu.memref_slice %arg4[%select_n3A_10, %dma_start3A_41, %dma_start3A_42] : memref<320x8x128xi32, #tpu.memory_space<hbm>> -> memref<1x8x128xi32, #tpu.memory_space<hbm>>
        %dma_start3A_44 = tpu.memref_squeeze %dma_start3A_43 : memref<1x8x128xi32, #tpu.memory_space<hbm>> -> memref<8x128xi32, #tpu.memory_space<hbm>>
        tpu.enqueue_dma source(%dma_start3A_44 : memref<8x128xi32, #tpu.memory_space<hbm>>) target(%dma_start3A_40 : memref<8x128xi32, #tpu.memory_space<vmem>>) target_semaphore(%run_scoped3A_29 : memref<!tpu.dma_semaphore, #tpu.memory_space<semaphore_mem>>)
        %dma_wait3A = arith.constant 0 : i32
        %dma_wait3A_45 = arith.constant 0 : i32
        %dma_wait3A_46 = tpu.memref_slice %arg7[%run_scoped3A, %dma_wait3A, %dma_wait3A_45] : memref<2x8x128xi32, #tpu.memory_space<vmem>> -> memref<1x8x128xi32, #tpu.memory_space<vmem>>
        %dma_wait3A_47 = tpu.memref_squeeze %dma_wait3A_46 : memref<1x8x128xi32, #tpu.memory_space<vmem>> -> memref<8x128xi32, #tpu.memory_space<vmem>>
        %dma_wait3A_48 = arith.constant 0 : i32
        %dma_wait3A_49 = arith.constant 0 : i32
        %dma_wait3A_50 = tpu.memref_slice %arg4[%select_n3A_10, %dma_wait3A_48, %dma_wait3A_49] : memref<320x8x128xi32, #tpu.memory_space<hbm>> -> memref<1x8x128xi32, #tpu.memory_space<hbm>>
        %dma_wait3A_51 = tpu.memref_squeeze %dma_wait3A_50 : memref<1x8x128xi32, #tpu.memory_space<hbm>> -> memref<8x128xi32, #tpu.memory_space<hbm>>
        %dma_wait3A_52 = arith.constant 0 : i32
        %dma_wait3A_53 = arith.constant 0 : i32
        %dma_wait3A_54 = tpu.memref_slice %arg7[%run_scoped3A, %dma_wait3A_52, %dma_wait3A_53] : memref<2x8x128xi32, #tpu.memory_space<vmem>> -> memref<1x8x128xi32, #tpu.memory_space<vmem>>
        %dma_wait3A_55 = tpu.memref_squeeze %dma_wait3A_54 : memref<1x8x128xi32, #tpu.memory_space<vmem>> -> memref<8x128xi32, #tpu.memory_space<vmem>>
        %dma_wait3A_56 = arith.constant 0 : i32
        %dma_wait3A_57 = arith.constant 0 : i32
        %dma_wait3A_58 = tpu.memref_slice %arg4[%select_n3A_10, %dma_wait3A_56, %dma_wait3A_57] : memref<320x8x128xi32, #tpu.memory_space<hbm>> -> memref<1x8x128xi32, #tpu.memory_space<hbm>>
        %dma_wait3A_59 = tpu.memref_squeeze %dma_wait3A_58 : memref<1x8x128xi32, #tpu.memory_space<hbm>> -> memref<8x128xi32, #tpu.memory_space<hbm>>
        tpu.wait_dma2 semaphore(%run_scoped3A_29 : memref<!tpu.dma_semaphore, #tpu.memory_space<semaphore_mem>>) src(%dma_wait3A_59 : memref<8x128xi32, #tpu.memory_space<hbm>>) dst(%dma_wait3A_55 : memref<8x128xi32, #tpu.memory_space<vmem>>)
        tpu.yield
      }) : () -> ()
      %run_scoped3A_28 = arith.constant 0 : i32
      "tpu.region"() ({
        %run_scoped3A_29 = tpu.sem_alloc : memref<!tpu.dma_semaphore, #tpu.memory_space<semaphore_mem>>
        %dma_start3A = arith.constant 0 : i32
        %dma_start3A_30 = arith.constant 0 : i32
        %dma_start3A_31 = tpu.memref_slice %arg8[%run_scoped3A_28, %dma_start3A, %dma_start3A_30] : memref<2x8x128xi32, #tpu.memory_space<vmem>> -> memref<1x8x128xi32, #tpu.memory_space<vmem>>
        %dma_start3A_32 = tpu.memref_squeeze %dma_start3A_31 : memref<1x8x128xi32, #tpu.memory_space<vmem>> -> memref<8x128xi32, #tpu.memory_space<vmem>>
        %dma_start3A_33 = arith.constant 0 : i32
        %dma_start3A_34 = arith.constant 0 : i32
        %dma_start3A_35 = tpu.memref_slice %arg5[%select_n3A_10, %dma_start3A_33, %dma_start3A_34] : memref<320x8x128xi32, #tpu.memory_space<hbm>> -> memref<1x8x128xi32, #tpu.memory_space<hbm>>
        %dma_start3A_36 = tpu.memref_squeeze %dma_start3A_35 : memref<1x8x128xi32, #tpu.memory_space<hbm>> -> memref<8x128xi32, #tpu.memory_space<hbm>>
        %dma_start3A_37 = arith.constant 0 : i32
        %dma_start3A_38 = arith.constant 0 : i32
        %dma_start3A_39 = tpu.memref_slice %arg8[%run_scoped3A_28, %dma_start3A_37, %dma_start3A_38] : memref<2x8x128xi32, #tpu.memory_space<vmem>> -> memref<1x8x128xi32, #tpu.memory_space<vmem>>
        %dma_start3A_40 = tpu.memref_squeeze %dma_start3A_39 : memref<1x8x128xi32, #tpu.memory_space<vmem>> -> memref<8x128xi32, #tpu.memory_space<vmem>>
        %dma_start3A_41 = arith.constant 0 : i32
        %dma_start3A_42 = arith.constant 0 : i32
        %dma_start3A_43 = tpu.memref_slice %arg5[%select_n3A_10, %dma_start3A_41, %dma_start3A_42] : memref<320x8x128xi32, #tpu.memory_space<hbm>> -> memref<1x8x128xi32, #tpu.memory_space<hbm>>
        %dma_start3A_44 = tpu.memref_squeeze %dma_start3A_43 : memref<1x8x128xi32, #tpu.memory_space<hbm>> -> memref<8x128xi32, #tpu.memory_space<hbm>>
        tpu.enqueue_dma source(%dma_start3A_44 : memref<8x128xi32, #tpu.memory_space<hbm>>) target(%dma_start3A_40 : memref<8x128xi32, #tpu.memory_space<vmem>>) target_semaphore(%run_scoped3A_29 : memref<!tpu.dma_semaphore, #tpu.memory_space<semaphore_mem>>)
        %dma_wait3A = arith.constant 0 : i32
        %dma_wait3A_45 = arith.constant 0 : i32
        %dma_wait3A_46 = tpu.memref_slice %arg8[%run_scoped3A_28, %dma_wait3A, %dma_wait3A_45] : memref<2x8x128xi32, #tpu.memory_space<vmem>> -> memref<1x8x128xi32, #tpu.memory_space<vmem>>
        %dma_wait3A_47 = tpu.memref_squeeze %dma_wait3A_46 : memref<1x8x128xi32, #tpu.memory_space<vmem>> -> memref<8x128xi32, #tpu.memory_space<vmem>>
        %dma_wait3A_48 = arith.constant 0 : i32
        %dma_wait3A_49 = arith.constant 0 : i32
        %dma_wait3A_50 = tpu.memref_slice %arg5[%select_n3A_10, %dma_wait3A_48, %dma_wait3A_49] : memref<320x8x128xi32, #tpu.memory_space<hbm>> -> memref<1x8x128xi32, #tpu.memory_space<hbm>>
        %dma_wait3A_51 = tpu.memref_squeeze %dma_wait3A_50 : memref<1x8x128xi32, #tpu.memory_space<hbm>> -> memref<8x128xi32, #tpu.memory_space<hbm>>
        %dma_wait3A_52 = arith.constant 0 : i32
        %dma_wait3A_53 = arith.constant 0 : i32
        %dma_wait3A_54 = tpu.memref_slice %arg8[%run_scoped3A_28, %dma_wait3A_52, %dma_wait3A_53] : memref<2x8x128xi32, #tpu.memory_space<vmem>> -> memref<1x8x128xi32, #tpu.memory_space<vmem>>
        %dma_wait3A_55 = tpu.memref_squeeze %dma_wait3A_54 : memref<1x8x128xi32, #tpu.memory_space<vmem>> -> memref<8x128xi32, #tpu.memory_space<vmem>>
        %dma_wait3A_56 = arith.constant 0 : i32
        %dma_wait3A_57 = arith.constant 0 : i32
        %dma_wait3A_58 = tpu.memref_slice %arg5[%select_n3A_10, %dma_wait3A_56, %dma_wait3A_57] : memref<320x8x128xi32, #tpu.memory_space<hbm>> -> memref<1x8x128xi32, #tpu.memory_space<hbm>>
        %dma_wait3A_59 = tpu.memref_squeeze %dma_wait3A_58 : memref<1x8x128xi32, #tpu.memory_space<hbm>> -> memref<8x128xi32, #tpu.memory_space<hbm>>
        tpu.wait_dma2 semaphore(%run_scoped3A_29 : memref<!tpu.dma_semaphore, #tpu.memory_space<semaphore_mem>>) src(%dma_wait3A_59 : memref<8x128xi32, #tpu.memory_space<hbm>>) dst(%dma_wait3A_55 : memref<8x128xi32, #tpu.memory_space<vmem>>)
        tpu.yield
      }) : () -> ()
    } else {
    }
    %scan3A = arith.constant 0 : i32
    %scan3A_13 = arith.constant 0 : i32
    %scan3A_14 = arith.constant 9 : i32
    %scan3A_15 = arith.addi %scan3A_13, %scan3A_14 : i32
    %scan3A_16 = arith.constant 1 : i32
    scf.for %scan3A_28 = %scan3A_13 to %scan3A_15 step %scan3A_16  : i32 {
      %mul3A_29 = arith.constant 2 : i32
      %mul3A_30 = arith.muli %mul3A_29, %scan3A_28 : i32
      %add3A_31 = arith.constant 0 : i32
      %add3A_32 = arith.addi %mul3A_30, %add3A_31 : i32
      %lt3A_33 = arith.cmpi slt, %add3A_32, %select_n3A : i32
      %convert_element_type3A_34 = arith.extui %lt3A_33 : i1 to i32
      %cond3A_35 = arith.constant 0 : i32
      %cond3A_36 = arith.cmpi ne, %convert_element_type3A_34, %cond3A_35 : i32
      scf.if %cond3A_36 {
        %gt3A_45 = arith.constant 0 : i32
        %gt3A_46 = arith.cmpi sgt, %add3A_32, %gt3A_45 : i32
        %convert_element_type3A_47 = arith.extui %gt3A_46 : i1 to i32
        %cond3A_48 = arith.constant 0 : i32
        %cond3A_49 = arith.cmpi ne, %convert_element_type3A_47, %cond3A_48 : i32
        scf.if %cond3A_49 {
          %add3A_75 = arith.addi %select_n3A_10, %add3A_32 : i32
          %dma_wait3A = arith.constant 0 : i32
          %dma_wait3A_76 = arith.constant 0 : i32
          %dma_wait3A_77 = arith.constant 0 : i32
          %dma_wait3A_78 = tpu.memref_slice %arg7[%dma_wait3A, %dma_wait3A_76, %dma_wait3A_77] : memref<2x8x128xi32, #tpu.memory_space<vmem>> -> memref<1x8x128xi32, #tpu.memory_space<vmem>>
          %dma_wait3A_79 = tpu.memref_squeeze %dma_wait3A_78 : memref<1x8x128xi32, #tpu.memory_space<vmem>> -> memref<8x128xi32, #tpu.memory_space<vmem>>
          %dma_wait3A_80 = arith.constant 0 : i32
          %dma_wait3A_81 = arith.constant 0 : i32
          %dma_wait3A_82 = tpu.memref_slice %arg4[%add3A_75, %dma_wait3A_80, %dma_wait3A_81] : memref<320x8x128xi32, #tpu.memory_space<hbm>> -> memref<1x8x128xi32, #tpu.memory_space<hbm>>
          %dma_wait3A_83 = tpu.memref_squeeze %dma_wait3A_82 : memref<1x8x128xi32, #tpu.memory_space<hbm>> -> memref<8x128xi32, #tpu.memory_space<hbm>>
          %dma_wait3A_84 = arith.constant 0 : i32
          %dma_wait3A_85 = arith.constant 0 : i32
          %dma_wait3A_86 = tpu.memref_slice %arg7[%dma_wait3A, %dma_wait3A_84, %dma_wait3A_85] : memref<2x8x128xi32, #tpu.memory_space<vmem>> -> memref<1x8x128xi32, #tpu.memory_space<vmem>>
          %dma_wait3A_87 = tpu.memref_squeeze %dma_wait3A_86 : memref<1x8x128xi32, #tpu.memory_space<vmem>> -> memref<8x128xi32, #tpu.memory_space<vmem>>
          %dma_wait3A_88 = arith.constant 0 : i32
          %dma_wait3A_89 = arith.constant 0 : i32
          %dma_wait3A_90 = tpu.memref_slice %arg4[%add3A_75, %dma_wait3A_88, %dma_wait3A_89] : memref<320x8x128xi32, #tpu.memory_space<hbm>> -> memref<1x8x128xi32, #tpu.memory_space<hbm>>
          %dma_wait3A_91 = tpu.memref_squeeze %dma_wait3A_90 : memref<1x8x128xi32, #tpu.memory_space<hbm>> -> memref<8x128xi32, #tpu.memory_space<hbm>>
          tpu.wait_dma2 semaphore(%arg14 : memref<!tpu.dma_semaphore, #tpu.memory_space<semaphore_mem>>) src(%dma_wait3A_91 : memref<8x128xi32, #tpu.memory_space<hbm>>) dst(%dma_wait3A_87 : memref<8x128xi32, #tpu.memory_space<vmem>>)
          %dma_wait3A_92 = arith.constant 0 : i32
          %dma_wait3A_93 = arith.constant 0 : i32
          %dma_wait3A_94 = arith.constant 0 : i32
          %dma_wait3A_95 = tpu.memref_slice %arg8[%dma_wait3A_92, %dma_wait3A_93, %dma_wait3A_94] : memref<2x8x128xi32, #tpu.memory_space<vmem>> -> memref<1x8x128xi32, #tpu.memory_space<vmem>>
          %dma_wait3A_96 = tpu.memref_squeeze %dma_wait3A_95 : memref<1x8x128xi32, #tpu.memory_space<vmem>> -> memref<8x128xi32, #tpu.memory_space<vmem>>
          %dma_wait3A_97 = arith.constant 0 : i32
          %dma_wait3A_98 = arith.constant 0 : i32
          %dma_wait3A_99 = tpu.memref_slice %arg5[%add3A_75, %dma_wait3A_97, %dma_wait3A_98] : memref<320x8x128xi32, #tpu.memory_space<hbm>> -> memref<1x8x128xi32, #tpu.memory_space<hbm>>
          %dma_wait3A_100 = tpu.memref_squeeze %dma_wait3A_99 : memref<1x8x128xi32, #tpu.memory_space<hbm>> -> memref<8x128xi32, #tpu.memory_space<hbm>>
          %dma_wait3A_101 = arith.constant 0 : i32
          %dma_wait3A_102 = arith.constant 0 : i32
          %dma_wait3A_103 = tpu.memref_slice %arg8[%dma_wait3A_92, %dma_wait3A_101, %dma_wait3A_102] : memref<2x8x128xi32, #tpu.memory_space<vmem>> -> memref<1x8x128xi32, #tpu.memory_space<vmem>>
          %dma_wait3A_104 = tpu.memref_squeeze %dma_wait3A_103 : memref<1x8x128xi32, #tpu.memory_space<vmem>> -> memref<8x128xi32, #tpu.memory_space<vmem>>
          %dma_wait3A_105 = arith.constant 0 : i32
          %dma_wait3A_106 = arith.constant 0 : i32
          %dma_wait3A_107 = tpu.memref_slice %arg5[%add3A_75, %dma_wait3A_105, %dma_wait3A_106] : memref<320x8x128xi32, #tpu.memory_space<hbm>> -> memref<1x8x128xi32, #tpu.memory_space<hbm>>
          %dma_wait3A_108 = tpu.memref_squeeze %dma_wait3A_107 : memref<1x8x128xi32, #tpu.memory_space<hbm>> -> memref<8x128xi32, #tpu.memory_space<hbm>>
          tpu.wait_dma2 semaphore(%arg14 : memref<!tpu.dma_semaphore, #tpu.memory_space<semaphore_mem>>) src(%dma_wait3A_108 : memref<8x128xi32, #tpu.memory_space<hbm>>) dst(%dma_wait3A_104 : memref<8x128xi32, #tpu.memory_space<vmem>>)
        } else {
        }
        %add3A_50 = arith.constant 1 : i32
        %add3A_51 = arith.addi %add3A_32, %add3A_50 : i32
        %lt3A_52 = arith.cmpi slt, %add3A_51, %select_n3A : i32
        %convert_element_type3A_53 = arith.extui %lt3A_52 : i1 to i32
        %cond3A_54 = arith.constant 0 : i32
        %cond3A_55 = arith.cmpi ne, %convert_element_type3A_53, %cond3A_54 : i32
        scf.if %cond3A_55 {
          %add3A_75 = arith.constant 1 : i32
          %add3A_76 = arith.addi %add3A_32, %add3A_75 : i32
          %add3A_77 = arith.addi %select_n3A_10, %add3A_76 : i32
          %dma_start3A_78 = arith.constant 1 : i32
          %dma_start3A_79 = arith.constant 0 : i32
          %dma_start3A_80 = arith.constant 0 : i32
          %dma_start3A_81 = tpu.memref_slice %arg7[%dma_start3A_78, %dma_start3A_79, %dma_start3A_80] : memref<2x8x128xi32, #tpu.memory_space<vmem>> -> memref<1x8x128xi32, #tpu.memory_space<vmem>>
          %dma_start3A_82 = tpu.memref_squeeze %dma_start3A_81 : memref<1x8x128xi32, #tpu.memory_space<vmem>> -> memref<8x128xi32, #tpu.memory_space<vmem>>
          %dma_start3A_83 = arith.constant 0 : i32
          %dma_start3A_84 = arith.constant 0 : i32
          %dma_start3A_85 = tpu.memref_slice %arg4[%add3A_77, %dma_start3A_83, %dma_start3A_84] : memref<320x8x128xi32, #tpu.memory_space<hbm>> -> memref<1x8x128xi32, #tpu.memory_space<hbm>>
          %dma_start3A_86 = tpu.memref_squeeze %dma_start3A_85 : memref<1x8x128xi32, #tpu.memory_space<hbm>> -> memref<8x128xi32, #tpu.memory_space<hbm>>
          %dma_start3A_87 = arith.constant 0 : i32
          %dma_start3A_88 = arith.constant 0 : i32
          %dma_start3A_89 = tpu.memref_slice %arg7[%dma_start3A_78, %dma_start3A_87, %dma_start3A_88] : memref<2x8x128xi32, #tpu.memory_space<vmem>> -> memref<1x8x128xi32, #tpu.memory_space<vmem>>
          %dma_start3A_90 = tpu.memref_squeeze %dma_start3A_89 : memref<1x8x128xi32, #tpu.memory_space<vmem>> -> memref<8x128xi32, #tpu.memory_space<vmem>>
          %dma_start3A_91 = arith.constant 0 : i32
          %dma_start3A_92 = arith.constant 0 : i32
          %dma_start3A_93 = tpu.memref_slice %arg4[%add3A_77, %dma_start3A_91, %dma_start3A_92] : memref<320x8x128xi32, #tpu.memory_space<hbm>> -> memref<1x8x128xi32, #tpu.memory_space<hbm>>
          %dma_start3A_94 = tpu.memref_squeeze %dma_start3A_93 : memref<1x8x128xi32, #tpu.memory_space<hbm>> -> memref<8x128xi32, #tpu.memory_space<hbm>>
          tpu.enqueue_dma source(%dma_start3A_94 : memref<8x128xi32, #tpu.memory_space<hbm>>) target(%dma_start3A_90 : memref<8x128xi32, #tpu.memory_space<vmem>>) target_semaphore(%arg14 : memref<!tpu.dma_semaphore, #tpu.memory_space<semaphore_mem>>)
          %dma_start3A_95 = arith.constant 1 : i32
          %dma_start3A_96 = arith.constant 0 : i32
          %dma_start3A_97 = arith.constant 0 : i32
          %dma_start3A_98 = tpu.memref_slice %arg8[%dma_start3A_95, %dma_start3A_96, %dma_start3A_97] : memref<2x8x128xi32, #tpu.memory_space<vmem>> -> memref<1x8x128xi32, #tpu.memory_space<vmem>>
          %dma_start3A_99 = tpu.memref_squeeze %dma_start3A_98 : memref<1x8x128xi32, #tpu.memory_space<vmem>> -> memref<8x128xi32, #tpu.memory_space<vmem>>
          %dma_start3A_100 = arith.constant 0 : i32
          %dma_start3A_101 = arith.constant 0 : i32
          %dma_start3A_102 = tpu.memref_slice %arg5[%add3A_77, %dma_start3A_100, %dma_start3A_101] : memref<320x8x128xi32, #tpu.memory_space<hbm>> -> memref<1x8x128xi32, #tpu.memory_space<hbm>>
          %dma_start3A_103 = tpu.memref_squeeze %dma_start3A_102 : memref<1x8x128xi32, #tpu.memory_space<hbm>> -> memref<8x128xi32, #tpu.memory_space<hbm>>
          %dma_start3A_104 = arith.constant 0 : i32
          %dma_start3A_105 = arith.constant 0 : i32
          %dma_start3A_106 = tpu.memref_slice %arg8[%dma_start3A_95, %dma_start3A_104, %dma_start3A_105] : memref<2x8x128xi32, #tpu.memory_space<vmem>> -> memref<1x8x128xi32, #tpu.memory_space<vmem>>
          %dma_start3A_107 = tpu.memref_squeeze %dma_start3A_106 : memref<1x8x128xi32, #tpu.memory_space<vmem>> -> memref<8x128xi32, #tpu.memory_space<vmem>>
          %dma_start3A_108 = arith.constant 0 : i32
          %dma_start3A_109 = arith.constant 0 : i32
          %dma_start3A_110 = tpu.memref_slice %arg5[%add3A_77, %dma_start3A_108, %dma_start3A_109] : memref<320x8x128xi32, #tpu.memory_space<hbm>> -> memref<1x8x128xi32, #tpu.memory_space<hbm>>
          %dma_start3A_111 = tpu.memref_squeeze %dma_start3A_110 : memref<1x8x128xi32, #tpu.memory_space<hbm>> -> memref<8x128xi32, #tpu.memory_space<hbm>>
          tpu.enqueue_dma source(%dma_start3A_111 : memref<8x128xi32, #tpu.memory_space<hbm>>) target(%dma_start3A_107 : memref<8x128xi32, #tpu.memory_space<vmem>>) target_semaphore(%arg14 : memref<!tpu.dma_semaphore, #tpu.memory_space<semaphore_mem>>)
        } else {
        }
        %dma_start3A = arith.constant 0 : i32
        %dma_start3A_56 = arith.constant 0 : i32
        %dma_start3A_57 = arith.constant 0 : i32
        %dma_start3A_58 = arith.constant 0 : i32
        %dma_start3A_59 = tpu.memref_slice %arg7[%dma_start3A, %dma_start3A_57, %dma_start3A_58] : memref<2x8x128xi32, #tpu.memory_space<vmem>> -> memref<1x8x128xi32, #tpu.memory_space<vmem>>
        %dma_start3A_60 = tpu.memref_squeeze %dma_start3A_59 : memref<1x8x128xi32, #tpu.memory_space<vmem>> -> memref<8x128xi32, #tpu.memory_space<vmem>>
        %dma_start3A_61 = arith.constant 0 : i32
        %dma_start3A_62 = tpu.memref_slice %dma_start3A_60[%dma_start3A_56, %dma_start3A_61] : memref<8x128xi32, #tpu.memory_space<vmem>> -> memref<1x128xi32, #tpu.memory_space<vmem>>
        %dma_start3A_63 = tpu.memref_squeeze %dma_start3A_62 : memref<1x128xi32, #tpu.memory_space<vmem>> -> memref<128xi32, #tpu.memory_space<vmem>>
        %dma_start3A_64 = arith.constant 0 : i32
        %dma_start3A_65 = arith.constant 0 : i32
        %dma_start3A_66 = tpu.memref_slice %arg2[%dma_start3A_64, %dma_start3A_65] : memref<10000x128xf32, #tpu.memory_space<hbm>> -> memref<10000x128xf32, #tpu.memory_space<hbm>>
        tpu.enqueue_indirect_dma source(%dma_start3A_66 : memref<10000x128xf32, #tpu.memory_space<hbm>>) target(%arg9 : memref<128x128xf32, #tpu.memory_space<vmem>>) offsets(%dma_start3A_63 : memref<128xi32, #tpu.memory_space<vmem>>) semaphore(%arg12 : memref<!tpu.dma_semaphore, #tpu.memory_space<semaphore_mem>>)
        %scan3A_67 = arith.constant 0 : i32
        %scan3A_68 = arith.constant 0 : i32
        %scan3A_69 = arith.constant 0 : i32
        %scan3A_70 = arith.constant 0 : i32
        %scan3A_71 = arith.constant 4 : i32
        %scan3A_72 = arith.addi %scan3A_70, %scan3A_71 : i32
        %scan3A_73 = arith.constant 1 : i32
        scf.for %scan3A_75 = %scan3A_70 to %scan3A_72 step %scan3A_73  : i32 {
          %mul3A_76 = arith.constant 2 : i32
          %mul3A_77 = arith.muli %mul3A_76, %scan3A_75 : i32
          %add3A_78 = arith.constant 1 : i32
          %add3A_79 = arith.addi %mul3A_77, %add3A_78 : i32
          %add3A_80 = arith.constant 2 : i32
          %add3A_81 = arith.addi %mul3A_77, %add3A_80 : i32
          %dma_start3A_82 = arith.constant 0 : i32
          %dma_start3A_83 = arith.constant 0 : i32
          %dma_start3A_84 = tpu.memref_slice %arg7[%scan3A_68, %dma_start3A_82, %dma_start3A_83] : memref<2x8x128xi32, #tpu.memory_space<vmem>> -> memref<1x8x128xi32, #tpu.memory_space<vmem>>
          %dma_start3A_85 = tpu.memref_squeeze %dma_start3A_84 : memref<1x8x128xi32, #tpu.memory_space<vmem>> -> memref<8x128xi32, #tpu.memory_space<vmem>>
          %dma_start3A_86 = arith.constant 0 : i32
          %dma_start3A_87 = tpu.memref_slice %dma_start3A_85[%add3A_79, %dma_start3A_86] : memref<8x128xi32, #tpu.memory_space<vmem>> -> memref<1x128xi32, #tpu.memory_space<vmem>>
          %dma_start3A_88 = tpu.memref_squeeze %dma_start3A_87 : memref<1x128xi32, #tpu.memory_space<vmem>> -> memref<128xi32, #tpu.memory_space<vmem>>
          %dma_start3A_89 = arith.constant 0 : i32
          %dma_start3A_90 = arith.constant 0 : i32
          %dma_start3A_91 = tpu.memref_slice %arg2[%dma_start3A_89, %dma_start3A_90] : memref<10000x128xf32, #tpu.memory_space<hbm>> -> memref<10000x128xf32, #tpu.memory_space<hbm>>
          tpu.enqueue_indirect_dma source(%dma_start3A_91 : memref<10000x128xf32, #tpu.memory_space<hbm>>) target(%arg10 : memref<128x128xf32, #tpu.memory_space<vmem>>) offsets(%dma_start3A_88 : memref<128xi32, #tpu.memory_space<vmem>>) semaphore(%arg13 : memref<!tpu.dma_semaphore, #tpu.memory_space<semaphore_mem>>)
          %dma_wait3A = arith.constant 0 : i32
          %dma_wait3A_92 = arith.constant 0 : i32
          %dma_wait3A_93 = tpu.memref_slice %arg7[%scan3A_68, %dma_wait3A, %dma_wait3A_92] : memref<2x8x128xi32, #tpu.memory_space<vmem>> -> memref<1x8x128xi32, #tpu.memory_space<vmem>>
          %dma_wait3A_94 = tpu.memref_squeeze %dma_wait3A_93 : memref<1x8x128xi32, #tpu.memory_space<vmem>> -> memref<8x128xi32, #tpu.memory_space<vmem>>
          %dma_wait3A_95 = arith.constant 0 : i32
          %dma_wait3A_96 = tpu.memref_slice %dma_wait3A_94[%mul3A_77, %dma_wait3A_95] : memref<8x128xi32, #tpu.memory_space<vmem>> -> memref<1x128xi32, #tpu.memory_space<vmem>>
          %dma_wait3A_97 = tpu.memref_squeeze %dma_wait3A_96 : memref<1x128xi32, #tpu.memory_space<vmem>> -> memref<128xi32, #tpu.memory_space<vmem>>
          %dma_wait3A_98 = arith.constant 0 : i32
          %dma_wait3A_99 = arith.constant 0 : i32
          %dma_wait3A_100 = tpu.memref_slice %arg2[%dma_wait3A_98, %dma_wait3A_99] : memref<10000x128xf32, #tpu.memory_space<hbm>> -> memref<10000x128xf32, #tpu.memory_space<hbm>>
          tpu.wait_indirect_dma semaphore(%arg12 : memref<!tpu.dma_semaphore, #tpu.memory_space<semaphore_mem>>) src(%dma_wait3A_100 : memref<10000x128xf32, #tpu.memory_space<hbm>>) dst(%arg9 : memref<128x128xf32, #tpu.memory_space<vmem>>)
          "tpu.region"() ({
            %run_scoped3A = tpu.sem_alloc : memref<!tpu.dma_semaphore, #tpu.memory_space<semaphore_mem>>
            %dma_start3A_116 = arith.constant 0 : i32
            %dma_start3A_117 = arith.constant 0 : i32
            %dma_start3A_118 = tpu.memref_slice %arg8[%scan3A_69, %dma_start3A_116, %dma_start3A_117] : memref<2x8x128xi32, #tpu.memory_space<vmem>> -> memref<1x8x128xi32, #tpu.memory_space<vmem>>
            %dma_start3A_119 = tpu.memref_squeeze %dma_start3A_118 : memref<1x8x128xi32, #tpu.memory_space<vmem>> -> memref<8x128xi32, #tpu.memory_space<vmem>>
            %dma_start3A_120 = arith.constant 0 : i32
            %dma_start3A_121 = tpu.memref_slice %dma_start3A_119[%mul3A_77, %dma_start3A_120] : memref<8x128xi32, #tpu.memory_space<vmem>> -> memref<1x128xi32, #tpu.memory_space<vmem>>
            %dma_start3A_122 = tpu.memref_squeeze %dma_start3A_121 : memref<1x128xi32, #tpu.memory_space<vmem>> -> memref<128xi32, #tpu.memory_space<vmem>>
            %dma_start3A_123 = arith.constant 0 : i32
            %dma_start3A_124 = arith.constant 0 : i32
            %dma_start3A_125 = tpu.memref_slice %arg11[%dma_start3A_123, %dma_start3A_124] : memref<10240x128xf32, #tpu.memory_space<vmem_shared>> -> memref<10240x128xf32, #tpu.memory_space<vmem_shared>>
            tpu.enqueue_indirect_dma source(%arg9 : memref<128x128xf32, #tpu.memory_space<vmem>>) target(%dma_start3A_125 : memref<10240x128xf32, #tpu.memory_space<vmem_shared>>) offsets(%dma_start3A_122 : memref<128xi32, #tpu.memory_space<vmem>>) semaphore(%run_scoped3A : memref<!tpu.dma_semaphore, #tpu.memory_space<semaphore_mem>>) {add = true}
            %dma_wait3A_126 = arith.constant 0 : i32
            %dma_wait3A_127 = arith.constant 0 : i32
            %dma_wait3A_128 = tpu.memref_slice %arg8[%scan3A_69, %dma_wait3A_126, %dma_wait3A_127] : memref<2x8x128xi32, #tpu.memory_space<vmem>> -> memref<1x8x128xi32, #tpu.memory_space<vmem>>
            %dma_wait3A_129 = tpu.memref_squeeze %dma_wait3A_128 : memref<1x8x128xi32, #tpu.memory_space<vmem>> -> memref<8x128xi32, #tpu.memory_space<vmem>>
            %dma_wait3A_130 = arith.constant 0 : i32
            %dma_wait3A_131 = tpu.memref_slice %dma_wait3A_129[%mul3A_77, %dma_wait3A_130] : memref<8x128xi32, #tpu.memory_space<vmem>> -> memref<1x128xi32, #tpu.memory_space<vmem>>
            %dma_wait3A_132 = tpu.memref_squeeze %dma_wait3A_131 : memref<1x128xi32, #tpu.memory_space<vmem>> -> memref<128xi32, #tpu.memory_space<vmem>>
            %dma_wait3A_133 = arith.constant 0 : i32
            %dma_wait3A_134 = arith.constant 0 : i32
            %dma_wait3A_135 = tpu.memref_slice %arg11[%dma_wait3A_133, %dma_wait3A_134] : memref<10240x128xf32, #tpu.memory_space<vmem_shared>> -> memref<10240x128xf32, #tpu.memory_space<vmem_shared>>
            tpu.wait_indirect_dma semaphore(%run_scoped3A : memref<!tpu.dma_semaphore, #tpu.memory_space<semaphore_mem>>) src(%arg9 : memref<128x128xf32, #tpu.memory_space<vmem>>) dst(%dma_wait3A_135 : memref<10240x128xf32, #tpu.memory_space<vmem_shared>>)
            tpu.yield
          }) : () -> ()
          %lt3A_101 = arith.constant 8 : i32
          %lt3A_102 = arith.cmpi slt, %add3A_81, %lt3A_101 : i32
          %convert_element_type3A_103 = arith.extui %lt3A_102 : i1 to i32
          %cond3A_104 = arith.constant 0 : i32
          %cond3A_105 = arith.cmpi ne, %convert_element_type3A_103, %cond3A_104 : i32
          scf.if %cond3A_105 {
            %dma_start3A_116 = arith.constant 0 : i32
            %dma_start3A_117 = arith.constant 0 : i32
            %dma_start3A_118 = tpu.memref_slice %arg7[%scan3A_68, %dma_start3A_116, %dma_start3A_117] : memref<2x8x128xi32, #tpu.memory_space<vmem>> -> memref<1x8x128xi32, #tpu.memory_space<vmem>>
            %dma_start3A_119 = tpu.memref_squeeze %dma_start3A_118 : memref<1x8x128xi32, #tpu.memory_space<vmem>> -> memref<8x128xi32, #tpu.memory_space<vmem>>
            %dma_start3A_120 = arith.constant 0 : i32
            %dma_start3A_121 = tpu.memref_slice %dma_start3A_119[%add3A_81, %dma_start3A_120] : memref<8x128xi32, #tpu.memory_space<vmem>> -> memref<1x128xi32, #tpu.memory_space<vmem>>
            %dma_start3A_122 = tpu.memref_squeeze %dma_start3A_121 : memref<1x128xi32, #tpu.memory_space<vmem>> -> memref<128xi32, #tpu.memory_space<vmem>>
            %dma_start3A_123 = arith.constant 0 : i32
            %dma_start3A_124 = arith.constant 0 : i32
            %dma_start3A_125 = tpu.memref_slice %arg2[%dma_start3A_123, %dma_start3A_124] : memref<10000x128xf32, #tpu.memory_space<hbm>> -> memref<10000x128xf32, #tpu.memory_space<hbm>>
            tpu.enqueue_indirect_dma source(%dma_start3A_125 : memref<10000x128xf32, #tpu.memory_space<hbm>>) target(%arg9 : memref<128x128xf32, #tpu.memory_space<vmem>>) offsets(%dma_start3A_122 : memref<128xi32, #tpu.memory_space<vmem>>) semaphore(%arg12 : memref<!tpu.dma_semaphore, #tpu.memory_space<semaphore_mem>>)
          } else {
          }
          %dma_wait3A_106 = arith.constant 0 : i32
          %dma_wait3A_107 = arith.constant 0 : i32
          %dma_wait3A_108 = tpu.memref_slice %arg7[%scan3A_68, %dma_wait3A_106, %dma_wait3A_107] : memref<2x8x128xi32, #tpu.memory_space<vmem>> -> memref<1x8x128xi32, #tpu.memory_space<vmem>>
          %dma_wait3A_109 = tpu.memref_squeeze %dma_wait3A_108 : memref<1x8x128xi32, #tpu.memory_space<vmem>> -> memref<8x128xi32, #tpu.memory_space<vmem>>
          %dma_wait3A_110 = arith.constant 0 : i32
          %dma_wait3A_111 = tpu.memref_slice %dma_wait3A_109[%add3A_79, %dma_wait3A_110] : memref<8x128xi32, #tpu.memory_space<vmem>> -> memref<1x128xi32, #tpu.memory_space<vmem>>
          %dma_wait3A_112 = tpu.memref_squeeze %dma_wait3A_111 : memref<1x128xi32, #tpu.memory_space<vmem>> -> memref<128xi32, #tpu.memory_space<vmem>>
          %dma_wait3A_113 = arith.constant 0 : i32
          %dma_wait3A_114 = arith.constant 0 : i32
          %dma_wait3A_115 = tpu.memref_slice %arg2[%dma_wait3A_113, %dma_wait3A_114] : memref<10000x128xf32, #tpu.memory_space<hbm>> -> memref<10000x128xf32, #tpu.memory_space<hbm>>
          tpu.wait_indirect_dma semaphore(%arg13 : memref<!tpu.dma_semaphore, #tpu.memory_space<semaphore_mem>>) src(%dma_wait3A_115 : memref<10000x128xf32, #tpu.memory_space<hbm>>) dst(%arg10 : memref<128x128xf32, #tpu.memory_space<vmem>>)
          "tpu.region"() ({
            %run_scoped3A = tpu.sem_alloc : memref<!tpu.dma_semaphore, #tpu.memory_space<semaphore_mem>>
            %dma_start3A_116 = arith.constant 0 : i32
            %dma_start3A_117 = arith.constant 0 : i32
            %dma_start3A_118 = tpu.memref_slice %arg8[%scan3A_69, %dma_start3A_116, %dma_start3A_117] : memref<2x8x128xi32, #tpu.memory_space<vmem>> -> memref<1x8x128xi32, #tpu.memory_space<vmem>>
            %dma_start3A_119 = tpu.memref_squeeze %dma_start3A_118 : memref<1x8x128xi32, #tpu.memory_space<vmem>> -> memref<8x128xi32, #tpu.memory_space<vmem>>
            %dma_start3A_120 = arith.constant 0 : i32
            %dma_start3A_121 = tpu.memref_slice %dma_start3A_119[%add3A_79, %dma_start3A_120] : memref<8x128xi32, #tpu.memory_space<vmem>> -> memref<1x128xi32, #tpu.memory_space<vmem>>
            %dma_start3A_122 = tpu.memref_squeeze %dma_start3A_121 : memref<1x128xi32, #tpu.memory_space<vmem>> -> memref<128xi32, #tpu.memory_space<vmem>>
            %dma_start3A_123 = arith.constant 0 : i32
            %dma_start3A_124 = arith.constant 0 : i32
            %dma_start3A_125 = tpu.memref_slice %arg11[%dma_start3A_123, %dma_start3A_124] : memref<10240x128xf32, #tpu.memory_space<vmem_shared>> -> memref<10240x128xf32, #tpu.memory_space<vmem_shared>>
            tpu.enqueue_indirect_dma source(%arg10 : memref<128x128xf32, #tpu.memory_space<vmem>>) target(%dma_start3A_125 : memref<10240x128xf32, #tpu.memory_space<vmem_shared>>) offsets(%dma_start3A_122 : memref<128xi32, #tpu.memory_space<vmem>>) semaphore(%run_scoped3A : memref<!tpu.dma_semaphore, #tpu.memory_space<semaphore_mem>>) {add = true}
            %dma_wait3A_126 = arith.constant 0 : i32
            %dma_wait3A_127 = arith.constant 0 : i32
            %dma_wait3A_128 = tpu.memref_slice %arg8[%scan3A_69, %dma_wait3A_126, %dma_wait3A_127] : memref<2x8x128xi32, #tpu.memory_space<vmem>> -> memref<1x8x128xi32, #tpu.memory_space<vmem>>
            %dma_wait3A_129 = tpu.memref_squeeze %dma_wait3A_128 : memref<1x8x128xi32, #tpu.memory_space<vmem>> -> memref<8x128xi32, #tpu.memory_space<vmem>>
            %dma_wait3A_130 = arith.constant 0 : i32
            %dma_wait3A_131 = tpu.memref_slice %dma_wait3A_129[%add3A_79, %dma_wait3A_130] : memref<8x128xi32, #tpu.memory_space<vmem>> -> memref<1x128xi32, #tpu.memory_space<vmem>>
            %dma_wait3A_132 = tpu.memref_squeeze %dma_wait3A_131 : memref<1x128xi32, #tpu.memory_space<vmem>> -> memref<128xi32, #tpu.memory_space<vmem>>
            %dma_wait3A_133 = arith.constant 0 : i32
            %dma_wait3A_134 = arith.constant 0 : i32
            %dma_wait3A_135 = tpu.memref_slice %arg11[%dma_wait3A_133, %dma_wait3A_134] : memref<10240x128xf32, #tpu.memory_space<vmem_shared>> -> memref<10240x128xf32, #tpu.memory_space<vmem_shared>>
            tpu.wait_indirect_dma semaphore(%run_scoped3A : memref<!tpu.dma_semaphore, #tpu.memory_space<semaphore_mem>>) src(%arg10 : memref<128x128xf32, #tpu.memory_space<vmem>>) dst(%dma_wait3A_135 : memref<10240x128xf32, #tpu.memory_space<vmem_shared>>)
            tpu.yield
          }) : () -> ()
        }
        %scan3A_74 = arith.constant 4 : i32
      } else {
      }
      %mul3A_37 = arith.constant 2 : i32
      %mul3A_38 = arith.muli %mul3A_37, %scan3A_28 : i32
      %add3A_39 = arith.constant 1 : i32
      %add3A_40 = arith.addi %mul3A_38, %add3A_39 : i32
      %lt3A_41 = arith.cmpi slt, %add3A_40, %select_n3A : i32
      %convert_element_type3A_42 = arith.extui %lt3A_41 : i1 to i32
      %cond3A_43 = arith.constant 0 : i32
      %cond3A_44 = arith.cmpi ne, %convert_element_type3A_42, %cond3A_43 : i32
      scf.if %cond3A_44 {
        %gt3A_45 = arith.constant 0 : i32
        %gt3A_46 = arith.cmpi sgt, %add3A_40, %gt3A_45 : i32
        %convert_element_type3A_47 = arith.extui %gt3A_46 : i1 to i32
        %cond3A_48 = arith.constant 0 : i32
        %cond3A_49 = arith.cmpi ne, %convert_element_type3A_47, %cond3A_48 : i32
        scf.if %cond3A_49 {
          %add3A_75 = arith.addi %select_n3A_10, %add3A_40 : i32
          %dma_wait3A = arith.constant 1 : i32
          %dma_wait3A_76 = arith.constant 0 : i32
          %dma_wait3A_77 = arith.constant 0 : i32
          %dma_wait3A_78 = tpu.memref_slice %arg7[%dma_wait3A, %dma_wait3A_76, %dma_wait3A_77] : memref<2x8x128xi32, #tpu.memory_space<vmem>> -> memref<1x8x128xi32, #tpu.memory_space<vmem>>
          %dma_wait3A_79 = tpu.memref_squeeze %dma_wait3A_78 : memref<1x8x128xi32, #tpu.memory_space<vmem>> -> memref<8x128xi32, #tpu.memory_space<vmem>>
          %dma_wait3A_80 = arith.constant 0 : i32
          %dma_wait3A_81 = arith.constant 0 : i32
          %dma_wait3A_82 = tpu.memref_slice %arg4[%add3A_75, %dma_wait3A_80, %dma_wait3A_81] : memref<320x8x128xi32, #tpu.memory_space<hbm>> -> memref<1x8x128xi32, #tpu.memory_space<hbm>>
          %dma_wait3A_83 = tpu.memref_squeeze %dma_wait3A_82 : memref<1x8x128xi32, #tpu.memory_space<hbm>> -> memref<8x128xi32, #tpu.memory_space<hbm>>
          %dma_wait3A_84 = arith.constant 0 : i32
          %dma_wait3A_85 = arith.constant 0 : i32
          %dma_wait3A_86 = tpu.memref_slice %arg7[%dma_wait3A, %dma_wait3A_84, %dma_wait3A_85] : memref<2x8x128xi32, #tpu.memory_space<vmem>> -> memref<1x8x128xi32, #tpu.memory_space<vmem>>
          %dma_wait3A_87 = tpu.memref_squeeze %dma_wait3A_86 : memref<1x8x128xi32, #tpu.memory_space<vmem>> -> memref<8x128xi32, #tpu.memory_space<vmem>>
          %dma_wait3A_88 = arith.constant 0 : i32
          %dma_wait3A_89 = arith.constant 0 : i32
          %dma_wait3A_90 = tpu.memref_slice %arg4[%add3A_75, %dma_wait3A_88, %dma_wait3A_89] : memref<320x8x128xi32, #tpu.memory_space<hbm>> -> memref<1x8x128xi32, #tpu.memory_space<hbm>>
          %dma_wait3A_91 = tpu.memref_squeeze %dma_wait3A_90 : memref<1x8x128xi32, #tpu.memory_space<hbm>> -> memref<8x128xi32, #tpu.memory_space<hbm>>
          tpu.wait_dma2 semaphore(%arg14 : memref<!tpu.dma_semaphore, #tpu.memory_space<semaphore_mem>>) src(%dma_wait3A_91 : memref<8x128xi32, #tpu.memory_space<hbm>>) dst(%dma_wait3A_87 : memref<8x128xi32, #tpu.memory_space<vmem>>)
          %dma_wait3A_92 = arith.constant 1 : i32
          %dma_wait3A_93 = arith.constant 0 : i32
          %dma_wait3A_94 = arith.constant 0 : i32
          %dma_wait3A_95 = tpu.memref_slice %arg8[%dma_wait3A_92, %dma_wait3A_93, %dma_wait3A_94] : memref<2x8x128xi32, #tpu.memory_space<vmem>> -> memref<1x8x128xi32, #tpu.memory_space<vmem>>
          %dma_wait3A_96 = tpu.memref_squeeze %dma_wait3A_95 : memref<1x8x128xi32, #tpu.memory_space<vmem>> -> memref<8x128xi32, #tpu.memory_space<vmem>>
          %dma_wait3A_97 = arith.constant 0 : i32
          %dma_wait3A_98 = arith.constant 0 : i32
          %dma_wait3A_99 = tpu.memref_slice %arg5[%add3A_75, %dma_wait3A_97, %dma_wait3A_98] : memref<320x8x128xi32, #tpu.memory_space<hbm>> -> memref<1x8x128xi32, #tpu.memory_space<hbm>>
          %dma_wait3A_100 = tpu.memref_squeeze %dma_wait3A_99 : memref<1x8x128xi32, #tpu.memory_space<hbm>> -> memref<8x128xi32, #tpu.memory_space<hbm>>
          %dma_wait3A_101 = arith.constant 0 : i32
          %dma_wait3A_102 = arith.constant 0 : i32
          %dma_wait3A_103 = tpu.memref_slice %arg8[%dma_wait3A_92, %dma_wait3A_101, %dma_wait3A_102] : memref<2x8x128xi32, #tpu.memory_space<vmem>> -> memref<1x8x128xi32, #tpu.memory_space<vmem>>
          %dma_wait3A_104 = tpu.memref_squeeze %dma_wait3A_103 : memref<1x8x128xi32, #tpu.memory_space<vmem>> -> memref<8x128xi32, #tpu.memory_space<vmem>>
          %dma_wait3A_105 = arith.constant 0 : i32
          %dma_wait3A_106 = arith.constant 0 : i32
          %dma_wait3A_107 = tpu.memref_slice %arg5[%add3A_75, %dma_wait3A_105, %dma_wait3A_106] : memref<320x8x128xi32, #tpu.memory_space<hbm>> -> memref<1x8x128xi32, #tpu.memory_space<hbm>>
          %dma_wait3A_108 = tpu.memref_squeeze %dma_wait3A_107 : memref<1x8x128xi32, #tpu.memory_space<hbm>> -> memref<8x128xi32, #tpu.memory_space<hbm>>
          tpu.wait_dma2 semaphore(%arg14 : memref<!tpu.dma_semaphore, #tpu.memory_space<semaphore_mem>>) src(%dma_wait3A_108 : memref<8x128xi32, #tpu.memory_space<hbm>>) dst(%dma_wait3A_104 : memref<8x128xi32, #tpu.memory_space<vmem>>)
        } else {
        }
        %add3A_50 = arith.constant 1 : i32
        %add3A_51 = arith.addi %add3A_40, %add3A_50 : i32
        %lt3A_52 = arith.cmpi slt, %add3A_51, %select_n3A : i32
        %convert_element_type3A_53 = arith.extui %lt3A_52 : i1 to i32
        %cond3A_54 = arith.constant 0 : i32
        %cond3A_55 = arith.cmpi ne, %convert_element_type3A_53, %cond3A_54 : i32
        scf.if %cond3A_55 {
          %add3A_75 = arith.constant 1 : i32
          %add3A_76 = arith.addi %add3A_40, %add3A_75 : i32
          %add3A_77 = arith.addi %select_n3A_10, %add3A_76 : i32
          %dma_start3A_78 = arith.constant 0 : i32
          %dma_start3A_79 = arith.constant 0 : i32
          %dma_start3A_80 = arith.constant 0 : i32
          %dma_start3A_81 = tpu.memref_slice %arg7[%dma_start3A_78, %dma_start3A_79, %dma_start3A_80] : memref<2x8x128xi32, #tpu.memory_space<vmem>> -> memref<1x8x128xi32, #tpu.memory_space<vmem>>
          %dma_start3A_82 = tpu.memref_squeeze %dma_start3A_81 : memref<1x8x128xi32, #tpu.memory_space<vmem>> -> memref<8x128xi32, #tpu.memory_space<vmem>>
          %dma_start3A_83 = arith.constant 0 : i32
          %dma_start3A_84 = arith.constant 0 : i32
          %dma_start3A_85 = tpu.memref_slice %arg4[%add3A_77, %dma_start3A_83, %dma_start3A_84] : memref<320x8x128xi32, #tpu.memory_space<hbm>> -> memref<1x8x128xi32, #tpu.memory_space<hbm>>
          %dma_start3A_86 = tpu.memref_squeeze %dma_start3A_85 : memref<1x8x128xi32, #tpu.memory_space<hbm>> -> memref<8x128xi32, #tpu.memory_space<hbm>>
          %dma_start3A_87 = arith.constant 0 : i32
          %dma_start3A_88 = arith.constant 0 : i32
          %dma_start3A_89 = tpu.memref_slice %arg7[%dma_start3A_78, %dma_start3A_87, %dma_start3A_88] : memref<2x8x128xi32, #tpu.memory_space<vmem>> -> memref<1x8x128xi32, #tpu.memory_space<vmem>>
          %dma_start3A_90 = tpu.memref_squeeze %dma_start3A_89 : memref<1x8x128xi32, #tpu.memory_space<vmem>> -> memref<8x128xi32, #tpu.memory_space<vmem>>
          %dma_start3A_91 = arith.constant 0 : i32
          %dma_start3A_92 = arith.constant 0 : i32
          %dma_start3A_93 = tpu.memref_slice %arg4[%add3A_77, %dma_start3A_91, %dma_start3A_92] : memref<320x8x128xi32, #tpu.memory_space<hbm>> -> memref<1x8x128xi32, #tpu.memory_space<hbm>>
          %dma_start3A_94 = tpu.memref_squeeze %dma_start3A_93 : memref<1x8x128xi32, #tpu.memory_space<hbm>> -> memref<8x128xi32, #tpu.memory_space<hbm>>
          tpu.enqueue_dma source(%dma_start3A_94 : memref<8x128xi32, #tpu.memory_space<hbm>>) target(%dma_start3A_90 : memref<8x128xi32, #tpu.memory_space<vmem>>) target_semaphore(%arg14 : memref<!tpu.dma_semaphore, #tpu.memory_space<semaphore_mem>>)
          %dma_start3A_95 = arith.constant 0 : i32
          %dma_start3A_96 = arith.constant 0 : i32
          %dma_start3A_97 = arith.constant 0 : i32
          %dma_start3A_98 = tpu.memref_slice %arg8[%dma_start3A_95, %dma_start3A_96, %dma_start3A_97] : memref<2x8x128xi32, #tpu.memory_space<vmem>> -> memref<1x8x128xi32, #tpu.memory_space<vmem>>
          %dma_start3A_99 = tpu.memref_squeeze %dma_start3A_98 : memref<1x8x128xi32, #tpu.memory_space<vmem>> -> memref<8x128xi32, #tpu.memory_space<vmem>>
          %dma_start3A_100 = arith.constant 0 : i32
          %dma_start3A_101 = arith.constant 0 : i32
          %dma_start3A_102 = tpu.memref_slice %arg5[%add3A_77, %dma_start3A_100, %dma_start3A_101] : memref<320x8x128xi32, #tpu.memory_space<hbm>> -> memref<1x8x128xi32, #tpu.memory_space<hbm>>
          %dma_start3A_103 = tpu.memref_squeeze %dma_start3A_102 : memref<1x8x128xi32, #tpu.memory_space<hbm>> -> memref<8x128xi32, #tpu.memory_space<hbm>>
          %dma_start3A_104 = arith.constant 0 : i32
          %dma_start3A_105 = arith.constant 0 : i32
          %dma_start3A_106 = tpu.memref_slice %arg8[%dma_start3A_95, %dma_start3A_104, %dma_start3A_105] : memref<2x8x128xi32, #tpu.memory_space<vmem>> -> memref<1x8x128xi32, #tpu.memory_space<vmem>>
          %dma_start3A_107 = tpu.memref_squeeze %dma_start3A_106 : memref<1x8x128xi32, #tpu.memory_space<vmem>> -> memref<8x128xi32, #tpu.memory_space<vmem>>
          %dma_start3A_108 = arith.constant 0 : i32
          %dma_start3A_109 = arith.constant 0 : i32
          %dma_start3A_110 = tpu.memref_slice %arg5[%add3A_77, %dma_start3A_108, %dma_start3A_109] : memref<320x8x128xi32, #tpu.memory_space<hbm>> -> memref<1x8x128xi32, #tpu.memory_space<hbm>>
          %dma_start3A_111 = tpu.memref_squeeze %dma_start3A_110 : memref<1x8x128xi32, #tpu.memory_space<hbm>> -> memref<8x128xi32, #tpu.memory_space<hbm>>
          tpu.enqueue_dma source(%dma_start3A_111 : memref<8x128xi32, #tpu.memory_space<hbm>>) target(%dma_start3A_107 : memref<8x128xi32, #tpu.memory_space<vmem>>) target_semaphore(%arg14 : memref<!tpu.dma_semaphore, #tpu.memory_space<semaphore_mem>>)
        } else {
        }
        %dma_start3A = arith.constant 1 : i32
        %dma_start3A_56 = arith.constant 0 : i32
        %dma_start3A_57 = arith.constant 0 : i32
        %dma_start3A_58 = arith.constant 0 : i32
        %dma_start3A_59 = tpu.memref_slice %arg7[%dma_start3A, %dma_start3A_57, %dma_start3A_58] : memref<2x8x128xi32, #tpu.memory_space<vmem>> -> memref<1x8x128xi32, #tpu.memory_space<vmem>>
        %dma_start3A_60 = tpu.memref_squeeze %dma_start3A_59 : memref<1x8x128xi32, #tpu.memory_space<vmem>> -> memref<8x128xi32, #tpu.memory_space<vmem>>
        %dma_start3A_61 = arith.constant 0 : i32
        %dma_start3A_62 = tpu.memref_slice %dma_start3A_60[%dma_start3A_56, %dma_start3A_61] : memref<8x128xi32, #tpu.memory_space<vmem>> -> memref<1x128xi32, #tpu.memory_space<vmem>>
        %dma_start3A_63 = tpu.memref_squeeze %dma_start3A_62 : memref<1x128xi32, #tpu.memory_space<vmem>> -> memref<128xi32, #tpu.memory_space<vmem>>
        %dma_start3A_64 = arith.constant 0 : i32
        %dma_start3A_65 = arith.constant 0 : i32
        %dma_start3A_66 = tpu.memref_slice %arg2[%dma_start3A_64, %dma_start3A_65] : memref<10000x128xf32, #tpu.memory_space<hbm>> -> memref<10000x128xf32, #tpu.memory_space<hbm>>
        tpu.enqueue_indirect_dma source(%dma_start3A_66 : memref<10000x128xf32, #tpu.memory_space<hbm>>) target(%arg9 : memref<128x128xf32, #tpu.memory_space<vmem>>) offsets(%dma_start3A_63 : memref<128xi32, #tpu.memory_space<vmem>>) semaphore(%arg12 : memref<!tpu.dma_semaphore, #tpu.memory_space<semaphore_mem>>)
        %scan3A_67 = arith.constant 0 : i32
        %scan3A_68 = arith.constant 1 : i32
        %scan3A_69 = arith.constant 1 : i32
        %scan3A_70 = arith.constant 0 : i32
        %scan3A_71 = arith.constant 4 : i32
        %scan3A_72 = arith.addi %scan3A_70, %scan3A_71 : i32
        %scan3A_73 = arith.constant 1 : i32
        scf.for %scan3A_75 = %scan3A_70 to %scan3A_72 step %scan3A_73  : i32 {
          %mul3A_76 = arith.constant 2 : i32
          %mul3A_77 = arith.muli %mul3A_76, %scan3A_75 : i32
          %add3A_78 = arith.constant 1 : i32
          %add3A_79 = arith.addi %mul3A_77, %add3A_78 : i32
          %add3A_80 = arith.constant 2 : i32
          %add3A_81 = arith.addi %mul3A_77, %add3A_80 : i32
          %dma_start3A_82 = arith.constant 0 : i32
          %dma_start3A_83 = arith.constant 0 : i32
          %dma_start3A_84 = tpu.memref_slice %arg7[%scan3A_68, %dma_start3A_82, %dma_start3A_83] : memref<2x8x128xi32, #tpu.memory_space<vmem>> -> memref<1x8x128xi32, #tpu.memory_space<vmem>>
          %dma_start3A_85 = tpu.memref_squeeze %dma_start3A_84 : memref<1x8x128xi32, #tpu.memory_space<vmem>> -> memref<8x128xi32, #tpu.memory_space<vmem>>
          %dma_start3A_86 = arith.constant 0 : i32
          %dma_start3A_87 = tpu.memref_slice %dma_start3A_85[%add3A_79, %dma_start3A_86] : memref<8x128xi32, #tpu.memory_space<vmem>> -> memref<1x128xi32, #tpu.memory_space<vmem>>
          %dma_start3A_88 = tpu.memref_squeeze %dma_start3A_87 : memref<1x128xi32, #tpu.memory_space<vmem>> -> memref<128xi32, #tpu.memory_space<vmem>>
          %dma_start3A_89 = arith.constant 0 : i32
          %dma_start3A_90 = arith.constant 0 : i32
          %dma_start3A_91 = tpu.memref_slice %arg2[%dma_start3A_89, %dma_start3A_90] : memref<10000x128xf32, #tpu.memory_space<hbm>> -> memref<10000x128xf32, #tpu.memory_space<hbm>>
          tpu.enqueue_indirect_dma source(%dma_start3A_91 : memref<10000x128xf32, #tpu.memory_space<hbm>>) target(%arg10 : memref<128x128xf32, #tpu.memory_space<vmem>>) offsets(%dma_start3A_88 : memref<128xi32, #tpu.memory_space<vmem>>) semaphore(%arg13 : memref<!tpu.dma_semaphore, #tpu.memory_space<semaphore_mem>>)
          %dma_wait3A = arith.constant 0 : i32
          %dma_wait3A_92 = arith.constant 0 : i32
          %dma_wait3A_93 = tpu.memref_slice %arg7[%scan3A_68, %dma_wait3A, %dma_wait3A_92] : memref<2x8x128xi32, #tpu.memory_space<vmem>> -> memref<1x8x128xi32, #tpu.memory_space<vmem>>
          %dma_wait3A_94 = tpu.memref_squeeze %dma_wait3A_93 : memref<1x8x128xi32, #tpu.memory_space<vmem>> -> memref<8x128xi32, #tpu.memory_space<vmem>>
          %dma_wait3A_95 = arith.constant 0 : i32
          %dma_wait3A_96 = tpu.memref_slice %dma_wait3A_94[%mul3A_77, %dma_wait3A_95] : memref<8x128xi32, #tpu.memory_space<vmem>> -> memref<1x128xi32, #tpu.memory_space<vmem>>
          %dma_wait3A_97 = tpu.memref_squeeze %dma_wait3A_96 : memref<1x128xi32, #tpu.memory_space<vmem>> -> memref<128xi32, #tpu.memory_space<vmem>>
          %dma_wait3A_98 = arith.constant 0 : i32
          %dma_wait3A_99 = arith.constant 0 : i32
          %dma_wait3A_100 = tpu.memref_slice %arg2[%dma_wait3A_98, %dma_wait3A_99] : memref<10000x128xf32, #tpu.memory_space<hbm>> -> memref<10000x128xf32, #tpu.memory_space<hbm>>
          tpu.wait_indirect_dma semaphore(%arg12 : memref<!tpu.dma_semaphore, #tpu.memory_space<semaphore_mem>>) src(%dma_wait3A_100 : memref<10000x128xf32, #tpu.memory_space<hbm>>) dst(%arg9 : memref<128x128xf32, #tpu.memory_space<vmem>>)
          "tpu.region"() ({
            %run_scoped3A = tpu.sem_alloc : memref<!tpu.dma_semaphore, #tpu.memory_space<semaphore_mem>>
            %dma_start3A_116 = arith.constant 0 : i32
            %dma_start3A_117 = arith.constant 0 : i32
            %dma_start3A_118 = tpu.memref_slice %arg8[%scan3A_69, %dma_start3A_116, %dma_start3A_117] : memref<2x8x128xi32, #tpu.memory_space<vmem>> -> memref<1x8x128xi32, #tpu.memory_space<vmem>>
            %dma_start3A_119 = tpu.memref_squeeze %dma_start3A_118 : memref<1x8x128xi32, #tpu.memory_space<vmem>> -> memref<8x128xi32, #tpu.memory_space<vmem>>
            %dma_start3A_120 = arith.constant 0 : i32
            %dma_start3A_121 = tpu.memref_slice %dma_start3A_119[%mul3A_77, %dma_start3A_120] : memref<8x128xi32, #tpu.memory_space<vmem>> -> memref<1x128xi32, #tpu.memory_space<vmem>>
            %dma_start3A_122 = tpu.memref_squeeze %dma_start3A_121 : memref<1x128xi32, #tpu.memory_space<vmem>> -> memref<128xi32, #tpu.memory_space<vmem>>
            %dma_start3A_123 = arith.constant 0 : i32
            %dma_start3A_124 = arith.constant 0 : i32
            %dma_start3A_125 = tpu.memref_slice %arg11[%dma_start3A_123, %dma_start3A_124] : memref<10240x128xf32, #tpu.memory_space<vmem_shared>> -> memref<10240x128xf32, #tpu.memory_space<vmem_shared>>
            tpu.enqueue_indirect_dma source(%arg9 : memref<128x128xf32, #tpu.memory_space<vmem>>) target(%dma_start3A_125 : memref<10240x128xf32, #tpu.memory_space<vmem_shared>>) offsets(%dma_start3A_122 : memref<128xi32, #tpu.memory_space<vmem>>) semaphore(%run_scoped3A : memref<!tpu.dma_semaphore, #tpu.memory_space<semaphore_mem>>) {add = true}
            %dma_wait3A_126 = arith.constant 0 : i32
            %dma_wait3A_127 = arith.constant 0 : i32
            %dma_wait3A_128 = tpu.memref_slice %arg8[%scan3A_69, %dma_wait3A_126, %dma_wait3A_127] : memref<2x8x128xi32, #tpu.memory_space<vmem>> -> memref<1x8x128xi32, #tpu.memory_space<vmem>>
            %dma_wait3A_129 = tpu.memref_squeeze %dma_wait3A_128 : memref<1x8x128xi32, #tpu.memory_space<vmem>> -> memref<8x128xi32, #tpu.memory_space<vmem>>
            %dma_wait3A_130 = arith.constant 0 : i32
            %dma_wait3A_131 = tpu.memref_slice %dma_wait3A_129[%mul3A_77, %dma_wait3A_130] : memref<8x128xi32, #tpu.memory_space<vmem>> -> memref<1x128xi32, #tpu.memory_space<vmem>>
            %dma_wait3A_132 = tpu.memref_squeeze %dma_wait3A_131 : memref<1x128xi32, #tpu.memory_space<vmem>> -> memref<128xi32, #tpu.memory_space<vmem>>
            %dma_wait3A_133 = arith.constant 0 : i32
            %dma_wait3A_134 = arith.constant 0 : i32
            %dma_wait3A_135 = tpu.memref_slice %arg11[%dma_wait3A_133, %dma_wait3A_134] : memref<10240x128xf32, #tpu.memory_space<vmem_shared>> -> memref<10240x128xf32, #tpu.memory_space<vmem_shared>>
            tpu.wait_indirect_dma semaphore(%run_scoped3A : memref<!tpu.dma_semaphore, #tpu.memory_space<semaphore_mem>>) src(%arg9 : memref<128x128xf32, #tpu.memory_space<vmem>>) dst(%dma_wait3A_135 : memref<10240x128xf32, #tpu.memory_space<vmem_shared>>)
            tpu.yield
          }) : () -> ()
          %lt3A_101 = arith.constant 8 : i32
          %lt3A_102 = arith.cmpi slt, %add3A_81, %lt3A_101 : i32
          %convert_element_type3A_103 = arith.extui %lt3A_102 : i1 to i32
          %cond3A_104 = arith.constant 0 : i32
          %cond3A_105 = arith.cmpi ne, %convert_element_type3A_103, %cond3A_104 : i32
          scf.if %cond3A_105 {
            %dma_start3A_116 = arith.constant 0 : i32
            %dma_start3A_117 = arith.constant 0 : i32
            %dma_start3A_118 = tpu.memref_slice %arg7[%scan3A_68, %dma_start3A_116, %dma_start3A_117] : memref<2x8x128xi32, #tpu.memory_space<vmem>> -> memref<1x8x128xi32, #tpu.memory_space<vmem>>
            %dma_start3A_119 = tpu.memref_squeeze %dma_start3A_118 : memref<1x8x128xi32, #tpu.memory_space<vmem>> -> memref<8x128xi32, #tpu.memory_space<vmem>>
            %dma_start3A_120 = arith.constant 0 : i32
            %dma_start3A_121 = tpu.memref_slice %dma_start3A_119[%add3A_81, %dma_start3A_120] : memref<8x128xi32, #tpu.memory_space<vmem>> -> memref<1x128xi32, #tpu.memory_space<vmem>>
            %dma_start3A_122 = tpu.memref_squeeze %dma_start3A_121 : memref<1x128xi32, #tpu.memory_space<vmem>> -> memref<128xi32, #tpu.memory_space<vmem>>
            %dma_start3A_123 = arith.constant 0 : i32
            %dma_start3A_124 = arith.constant 0 : i32
            %dma_start3A_125 = tpu.memref_slice %arg2[%dma_start3A_123, %dma_start3A_124] : memref<10000x128xf32, #tpu.memory_space<hbm>> -> memref<10000x128xf32, #tpu.memory_space<hbm>>
            tpu.enqueue_indirect_dma source(%dma_start3A_125 : memref<10000x128xf32, #tpu.memory_space<hbm>>) target(%arg9 : memref<128x128xf32, #tpu.memory_space<vmem>>) offsets(%dma_start3A_122 : memref<128xi32, #tpu.memory_space<vmem>>) semaphore(%arg12 : memref<!tpu.dma_semaphore, #tpu.memory_space<semaphore_mem>>)
          } else {
          }
          %dma_wait3A_106 = arith.constant 0 : i32
          %dma_wait3A_107 = arith.constant 0 : i32
          %dma_wait3A_108 = tpu.memref_slice %arg7[%scan3A_68, %dma_wait3A_106, %dma_wait3A_107] : memref<2x8x128xi32, #tpu.memory_space<vmem>> -> memref<1x8x128xi32, #tpu.memory_space<vmem>>
          %dma_wait3A_109 = tpu.memref_squeeze %dma_wait3A_108 : memref<1x8x128xi32, #tpu.memory_space<vmem>> -> memref<8x128xi32, #tpu.memory_space<vmem>>
          %dma_wait3A_110 = arith.constant 0 : i32
          %dma_wait3A_111 = tpu.memref_slice %dma_wait3A_109[%add3A_79, %dma_wait3A_110] : memref<8x128xi32, #tpu.memory_space<vmem>> -> memref<1x128xi32, #tpu.memory_space<vmem>>
          %dma_wait3A_112 = tpu.memref_squeeze %dma_wait3A_111 : memref<1x128xi32, #tpu.memory_space<vmem>> -> memref<128xi32, #tpu.memory_space<vmem>>
          %dma_wait3A_113 = arith.constant 0 : i32
          %dma_wait3A_114 = arith.constant 0 : i32
          %dma_wait3A_115 = tpu.memref_slice %arg2[%dma_wait3A_113, %dma_wait3A_114] : memref<10000x128xf32, #tpu.memory_space<hbm>> -> memref<10000x128xf32, #tpu.memory_space<hbm>>
          tpu.wait_indirect_dma semaphore(%arg13 : memref<!tpu.dma_semaphore, #tpu.memory_space<semaphore_mem>>) src(%dma_wait3A_115 : memref<10000x128xf32, #tpu.memory_space<hbm>>) dst(%arg10 : memref<128x128xf32, #tpu.memory_space<vmem>>)
          "tpu.region"() ({
            %run_scoped3A = tpu.sem_alloc : memref<!tpu.dma_semaphore, #tpu.memory_space<semaphore_mem>>
            %dma_start3A_116 = arith.constant 0 : i32
            %dma_start3A_117 = arith.constant 0 : i32
            %dma_start3A_118 = tpu.memref_slice %arg8[%scan3A_69, %dma_start3A_116, %dma_start3A_117] : memref<2x8x128xi32, #tpu.memory_space<vmem>> -> memref<1x8x128xi32, #tpu.memory_space<vmem>>
            %dma_start3A_119 = tpu.memref_squeeze %dma_start3A_118 : memref<1x8x128xi32, #tpu.memory_space<vmem>> -> memref<8x128xi32, #tpu.memory_space<vmem>>
            %dma_start3A_120 = arith.constant 0 : i32
            %dma_start3A_121 = tpu.memref_slice %dma_start3A_119[%add3A_79, %dma_start3A_120] : memref<8x128xi32, #tpu.memory_space<vmem>> -> memref<1x128xi32, #tpu.memory_space<vmem>>
            %dma_start3A_122 = tpu.memref_squeeze %dma_start3A_121 : memref<1x128xi32, #tpu.memory_space<vmem>> -> memref<128xi32, #tpu.memory_space<vmem>>
            %dma_start3A_123 = arith.constant 0 : i32
            %dma_start3A_124 = arith.constant 0 : i32
            %dma_start3A_125 = tpu.memref_slice %arg11[%dma_start3A_123, %dma_start3A_124] : memref<10240x128xf32, #tpu.memory_space<vmem_shared>> -> memref<10240x128xf32, #tpu.memory_space<vmem_shared>>
            tpu.enqueue_indirect_dma source(%arg10 : memref<128x128xf32, #tpu.memory_space<vmem>>) target(%dma_start3A_125 : memref<10240x128xf32, #tpu.memory_space<vmem_shared>>) offsets(%dma_start3A_122 : memref<128xi32, #tpu.memory_space<vmem>>) semaphore(%run_scoped3A : memref<!tpu.dma_semaphore, #tpu.memory_space<semaphore_mem>>) {add = true}
            %dma_wait3A_126 = arith.constant 0 : i32
            %dma_wait3A_127 = arith.constant 0 : i32
            %dma_wait3A_128 = tpu.memref_slice %arg8[%scan3A_69, %dma_wait3A_126, %dma_wait3A_127] : memref<2x8x128xi32, #tpu.memory_space<vmem>> -> memref<1x8x128xi32, #tpu.memory_space<vmem>>
            %dma_wait3A_129 = tpu.memref_squeeze %dma_wait3A_128 : memref<1x8x128xi32, #tpu.memory_space<vmem>> -> memref<8x128xi32, #tpu.memory_space<vmem>>
            %dma_wait3A_130 = arith.constant 0 : i32
            %dma_wait3A_131 = tpu.memref_slice %dma_wait3A_129[%add3A_79, %dma_wait3A_130] : memref<8x128xi32, #tpu.memory_space<vmem>> -> memref<1x128xi32, #tpu.memory_space<vmem>>
            %dma_wait3A_132 = tpu.memref_squeeze %dma_wait3A_131 : memref<1x128xi32, #tpu.memory_space<vmem>> -> memref<128xi32, #tpu.memory_space<vmem>>
            %dma_wait3A_133 = arith.constant 0 : i32
            %dma_wait3A_134 = arith.constant 0 : i32
            %dma_wait3A_135 = tpu.memref_slice %arg11[%dma_wait3A_133, %dma_wait3A_134] : memref<10240x128xf32, #tpu.memory_space<vmem_shared>> -> memref<10240x128xf32, #tpu.memory_space<vmem_shared>>
            tpu.wait_indirect_dma semaphore(%run_scoped3A : memref<!tpu.dma_semaphore, #tpu.memory_space<semaphore_mem>>) src(%arg10 : memref<128x128xf32, #tpu.memory_space<vmem>>) dst(%dma_wait3A_135 : memref<10240x128xf32, #tpu.memory_space<vmem_shared>>)
            tpu.yield
          }) : () -> ()
        }
        %scan3A_74 = arith.constant 4 : i32
      } else {
      }
    }
    %scan3A_17 = arith.constant 9 : i32
    %barrier3A_18 = arith.constant 0 : index
    tpu.barrier barrier_id(%barrier3A_18)
    %lt3A = arith.constant 15 : i32
    %lt3A_19 = arith.cmpi slt, %arg1, %lt3A : i32
    %convert_element_type3A_20 = arith.extui %lt3A_19 : i1 to i32
    %cond3A_21 = arith.constant 0 : i32
    %cond3A_22 = arith.cmpi ne, %convert_element_type3A_20, %cond3A_21 : i32
    scf.if %cond3A_22 {
      %mul3A_28 = arith.constant 640 : i32
      %mul3A_29 = arith.muli %arg1, %mul3A_28 : i32
      %mul3A_30 = arith.constant 640 : i32
      %mul3A_31 = arith.muli %arg1, %mul3A_30 : i32
      "tpu.region"() ({
        %run_scoped3A = tpu.sem_alloc : memref<!tpu.dma_semaphore, #tpu.memory_space<semaphore_mem>>
        %dma_start3A = arith.constant 0 : i32
        %dma_start3A_32 = tpu.memref_slice %arg6[%arg0, %mul3A_31, %dma_start3A] : memref<2x10000x128xf32, #tpu.memory_space<hbm>> -> memref<1x640x128xf32, #tpu.memory_space<hbm>>
        %dma_start3A_33 = tpu.memref_squeeze %dma_start3A_32 : memref<1x640x128xf32, #tpu.memory_space<hbm>> -> memref<640x128xf32, #tpu.memory_space<hbm>>
        %dma_start3A_34 = arith.constant 0 : i32
        %dma_start3A_35 = tpu.memref_slice %arg11[%mul3A_29, %dma_start3A_34] : memref<10240x128xf32, #tpu.memory_space<vmem_shared>> -> memref<640x128xf32, #tpu.memory_space<vmem_shared>>
        tpu.enqueue_dma source(%dma_start3A_35 : memref<640x128xf32, #tpu.memory_space<vmem_shared>>) target(%dma_start3A_33 : memref<640x128xf32, #tpu.memory_space<hbm>>) target_semaphore(%run_scoped3A : memref<!tpu.dma_semaphore, #tpu.memory_space<semaphore_mem>>)
        %dma_wait3A = arith.constant 0 : i32
        %dma_wait3A_36 = tpu.memref_slice %arg6[%arg0, %mul3A_31, %dma_wait3A] : memref<2x10000x128xf32, #tpu.memory_space<hbm>> -> memref<1x640x128xf32, #tpu.memory_space<hbm>>
        %dma_wait3A_37 = tpu.memref_squeeze %dma_wait3A_36 : memref<1x640x128xf32, #tpu.memory_space<hbm>> -> memref<640x128xf32, #tpu.memory_space<hbm>>
        %dma_wait3A_38 = arith.constant 0 : i32
        %dma_wait3A_39 = tpu.memref_slice %arg11[%mul3A_29, %dma_wait3A_38] : memref<10240x128xf32, #tpu.memory_space<vmem_shared>> -> memref<640x128xf32, #tpu.memory_space<vmem_shared>>
        tpu.wait_dma2 semaphore(%run_scoped3A : memref<!tpu.dma_semaphore, #tpu.memory_space<semaphore_mem>>) src(%dma_wait3A_39 : memref<640x128xf32, #tpu.memory_space<vmem_shared>>) dst(%dma_wait3A_37 : memref<640x128xf32, #tpu.memory_space<hbm>>)
        tpu.yield
      }) : () -> ()
    } else {
    }
    %eq3A_23 = arith.constant 15 : i32
    %eq3A_24 = arith.cmpi eq, %arg1, %eq3A_23 : i32
    %convert_element_type3A_25 = arith.extui %eq3A_24 : i1 to i32
    %cond3A_26 = arith.constant 0 : i32
    %cond3A_27 = arith.cmpi ne, %convert_element_type3A_25, %cond3A_26 : i32
    scf.if %cond3A_27 {
      "tpu.region"() ({
        %run_scoped3A = tpu.sem_alloc : memref<!tpu.dma_semaphore, #tpu.memory_space<semaphore_mem>>
        %dma_start3A = arith.constant 9600 : i32
        %dma_start3A_28 = arith.constant 0 : i32
        %dma_start3A_29 = tpu.memref_slice %arg6[%arg0, %dma_start3A, %dma_start3A_28] : memref<2x10000x128xf32, #tpu.memory_space<hbm>> -> memref<1x400x128xf32, #tpu.memory_space<hbm>>
        %dma_start3A_30 = tpu.memref_squeeze %dma_start3A_29 : memref<1x400x128xf32, #tpu.memory_space<hbm>> -> memref<400x128xf32, #tpu.memory_space<hbm>>
        %dma_start3A_31 = arith.constant 9600 : i32
        %dma_start3A_32 = arith.constant 0 : i32
        %dma_start3A_33 = tpu.memref_slice %arg11[%dma_start3A_31, %dma_start3A_32] : memref<10240x128xf32, #tpu.memory_space<vmem_shared>> -> memref<400x128xf32, #tpu.memory_space<vmem_shared>>
        tpu.enqueue_dma source(%dma_start3A_33 : memref<400x128xf32, #tpu.memory_space<vmem_shared>>) target(%dma_start3A_30 : memref<400x128xf32, #tpu.memory_space<hbm>>) target_semaphore(%run_scoped3A : memref<!tpu.dma_semaphore, #tpu.memory_space<semaphore_mem>>)
        %dma_wait3A = arith.constant 9600 : i32
        %dma_wait3A_34 = arith.constant 0 : i32
        %dma_wait3A_35 = tpu.memref_slice %arg6[%arg0, %dma_wait3A, %dma_wait3A_34] : memref<2x10000x128xf32, #tpu.memory_space<hbm>> -> memref<1x400x128xf32, #tpu.memory_space<hbm>>
        %dma_wait3A_36 = tpu.memref_squeeze %dma_wait3A_35 : memref<1x400x128xf32, #tpu.memory_space<hbm>> -> memref<400x128xf32, #tpu.memory_space<hbm>>
        %dma_wait3A_37 = arith.constant 9600 : i32
        %dma_wait3A_38 = arith.constant 0 : i32
        %dma_wait3A_39 = tpu.memref_slice %arg11[%dma_wait3A_37, %dma_wait3A_38] : memref<10240x128xf32, #tpu.memory_space<vmem_shared>> -> memref<400x128xf32, #tpu.memory_space<vmem_shared>>
        tpu.wait_dma2 semaphore(%run_scoped3A : memref<!tpu.dma_semaphore, #tpu.memory_space<semaphore_mem>>) src(%dma_wait3A_39 : memref<400x128xf32, #tpu.memory_space<vmem_shared>>) dst(%dma_wait3A_36 : memref<400x128xf32, #tpu.memory_space<hbm>>)
        tpu.yield
      }) : () -> ()
    } else {
    }
    return
  }
}

#map = affine_map<(d0, d1) -> (0)>
#map1 = affine_map<(d0, d1) -> (0, 0)>
module attributes {stable_mosaic.version = 14 : i64} {
  func.func @hist(%arg0: i32, %arg1: i32, %arg2: memref<320000xi32, #tpu.memory_space<hbm>>, %arg3: memref<32x10240xf32, #tpu.memory_space<hbm>>, %arg4: memref<10000xi32, #tpu.memory_space<vmem>>, %arg5: memref<10240xf32, #tpu.memory_space<vmem>>) attributes {dimension_semantics = [#tpu.dimension_semantics<core_parallel>, #tpu.dimension_semantics<subcore_parallel>], iteration_bounds = array<i64: 2, 16>, scalar_prefetch = 0 : i64, scratch_operands = 2 : i64, tpu.core_type = #tpu.core_type<sc_vector_subcore>, window_params = [{transform_indices = #map}, {transform_indices = #map1}]} {
    %mul3A = arith.constant 16 : i32
    %mul3A_0 = arith.muli %arg0, %mul3A : i32
    %add3A = arith.addi %mul3A_0, %arg1 : i32
    %scan3A = arith.constant 0 : i32
    %scan3A_1 = arith.constant 0 : i32
    %scan3A_2 = arith.constant 640 : i32
    %scan3A_3 = arith.addi %scan3A_1, %scan3A_2 : i32
    %scan3A_4 = arith.constant 1 : i32
    scf.for %scan3A_15 = %scan3A_1 to %scan3A_3 step %scan3A_4  : i32 {
      %broadcast_in_dim3A_16 = arith.constant 0.000000e+00 : f32
      %broadcast_in_dim3A_17 = vector.broadcast %broadcast_in_dim3A_16 : f32 to vector<16xf32>
      %mul3A_18 = arith.constant 16 : i32
      %mul3A_19 = arith.muli %scan3A_15, %mul3A_18 : i32
      %swap3A = arith.index_cast %mul3A_19 : i32 to index
      %swap3A_20 = tpu.vector_load %arg5[%swap3A] {strides = array<i32>} : memref<10240xf32, #tpu.memory_space<vmem>>, vector<16xf32>,
      tpu.vector_store %arg5[%swap3A], %broadcast_in_dim3A_17 {strides = array<i32>} : memref<10240xf32, #tpu.memory_space<vmem>>, vector<16xf32>,
    }
    %scan3A_5 = arith.constant 640 : i32
    %mul3A_6 = arith.constant 10000 : i32
    %mul3A_7 = arith.muli %add3A, %mul3A_6 : i32
    "tpu.region"() ({
      %run_scoped3A = tpu.sem_alloc : memref<!tpu.dma_semaphore, #tpu.memory_space<semaphore_mem>>
      %dma_start3A = tpu.memref_slice %arg2[%mul3A_7] : memref<320000xi32, #tpu.memory_space<hbm>> -> memref<10000xi32, #tpu.memory_space<hbm>>
      %dma_start3A_15 = tpu.memref_slice %arg2[%mul3A_7] : memref<320000xi32, #tpu.memory_space<hbm>> -> memref<10000xi32, #tpu.memory_space<hbm>>
      tpu.enqueue_dma source(%dma_start3A_15 : memref<10000xi32, #tpu.memory_space<hbm>>) target(%arg4 : memref<10000xi32, #tpu.memory_space<vmem>>) target_semaphore(%run_scoped3A : memref<!tpu.dma_semaphore, #tpu.memory_space<semaphore_mem>>)
      %dma_wait3A = tpu.memref_slice %arg2[%mul3A_7] : memref<320000xi32, #tpu.memory_space<hbm>> -> memref<10000xi32, #tpu.memory_space<hbm>>
      %dma_wait3A_16 = tpu.memref_slice %arg2[%mul3A_7] : memref<320000xi32, #tpu.memory_space<hbm>> -> memref<10000xi32, #tpu.memory_space<hbm>>
      tpu.wait_dma2 semaphore(%run_scoped3A : memref<!tpu.dma_semaphore, #tpu.memory_space<semaphore_mem>>) src(%dma_wait3A_16 : memref<10000xi32, #tpu.memory_space<hbm>>) dst(%arg4 : memref<10000xi32, #tpu.memory_space<vmem>>)
      tpu.yield
    }) : () -> ()
    %broadcast_in_dim3A = arith.constant 1.000000e+00 : f32
    %broadcast_in_dim3A_8 = vector.broadcast %broadcast_in_dim3A : f32 to vector<16xf32>
    %scan3A_9 = arith.constant 0 : i32
    %scan3A_10 = arith.constant 0 : i32
    %scan3A_11 = arith.constant 625 : i32
    %scan3A_12 = arith.addi %scan3A_10, %scan3A_11 : i32
    %scan3A_13 = arith.constant 1 : i32
    scf.for %scan3A_15 = %scan3A_10 to %scan3A_12 step %scan3A_13  : i32 {
      %mul3A_16 = arith.constant 16 : i32
      %mul3A_17 = arith.muli %scan3A_15, %mul3A_16 : i32
      %get3A = arith.index_cast %mul3A_17 : i32 to index
      %get3A_18 = tpu.vector_load %arg4[%get3A] {strides = array<i32>} : memref<10000xi32, #tpu.memory_space<vmem>>, vector<16xi32>,
      tpu.vector_store_idx %arg5[%get3A_18], %broadcast_in_dim3A_8 {add = true} : memref<10240xf32, #tpu.memory_space<vmem>>[vector<16xi32>], vector<16xf32>,
    }
    %scan3A_14 = arith.constant 625 : i32
    "tpu.region"() ({
      %run_scoped3A = tpu.sem_alloc : memref<!tpu.dma_semaphore, #tpu.memory_space<semaphore_mem>>
      %dma_start3A = arith.constant 0 : i32
      %dma_start3A_15 = tpu.memref_slice %arg3[%add3A, %dma_start3A] : memref<32x10240xf32, #tpu.memory_space<hbm>> -> memref<1x10240xf32, #tpu.memory_space<hbm>>
      %dma_start3A_16 = tpu.memref_squeeze %dma_start3A_15 : memref<1x10240xf32, #tpu.memory_space<hbm>> -> memref<10240xf32, #tpu.memory_space<hbm>>
      %dma_start3A_17 = arith.constant 0 : i32
      %dma_start3A_18 = tpu.memref_slice %arg3[%add3A, %dma_start3A_17] : memref<32x10240xf32, #tpu.memory_space<hbm>> -> memref<1x10240xf32, #tpu.memory_space<hbm>>
      %dma_start3A_19 = tpu.memref_squeeze %dma_start3A_18 : memref<1x10240xf32, #tpu.memory_space<hbm>> -> memref<10240xf32, #tpu.memory_space<hbm>>
      tpu.enqueue_dma source(%arg5 : memref<10240xf32, #tpu.memory_space<vmem>>) target(%dma_start3A_19 : memref<10240xf32, #tpu.memory_space<hbm>>) target_semaphore(%run_scoped3A : memref<!tpu.dma_semaphore, #tpu.memory_space<semaphore_mem>>)
      %dma_wait3A = arith.constant 0 : i32
      %dma_wait3A_20 = tpu.memref_slice %arg3[%add3A, %dma_wait3A] : memref<32x10240xf32, #tpu.memory_space<hbm>> -> memref<1x10240xf32, #tpu.memory_space<hbm>>
      %dma_wait3A_21 = tpu.memref_squeeze %dma_wait3A_20 : memref<1x10240xf32, #tpu.memory_space<hbm>> -> memref<10240xf32, #tpu.memory_space<hbm>>
      %dma_wait3A_22 = arith.constant 0 : i32
      %dma_wait3A_23 = tpu.memref_slice %arg3[%add3A, %dma_wait3A_22] : memref<32x10240xf32, #tpu.memory_space<hbm>> -> memref<1x10240xf32, #tpu.memory_space<hbm>>
      %dma_wait3A_24 = tpu.memref_squeeze %dma_wait3A_23 : memref<1x10240xf32, #tpu.memory_space<hbm>> -> memref<10240xf32, #tpu.memory_space<hbm>>
      tpu.wait_dma2 semaphore(%run_scoped3A : memref<!tpu.dma_semaphore, #tpu.memory_space<semaphore_mem>>) src(%arg5 : memref<10240xf32, #tpu.memory_space<vmem>>) dst(%dma_wait3A_24 : memref<10240xf32, #tpu.memory_space<hbm>>)
      tpu.yield
    }) : () -> ()
    return
  }
}

module attributes {stable_mosaic.version = 14 : i64} {
  func.func @body(%arg0: i32, %arg1: memref<32x1024xf32, #tpu.memory_space<vmem>>, %arg2: memref<1024x128xf32, #tpu.memory_space<vmem>>, %arg3: memref<1024x1xf32, #tpu.memory_space<vmem>>, %arg4: memref<1024x128xf32, #tpu.memory_space<vmem>>) attributes {dimension_semantics = [#tpu.dimension_semantics<arbitrary>], iteration_bounds = array<i64: 10>, scalar_prefetch = 0 : i64, scratch_operands = 0 : i64, tpu.core_type = #tpu.core_type<tc>, window_params = [{transform_indices = @transform_0, window_bounds = array<i64: 32, 1024>}, {transform_indices = @transform_1, window_bounds = array<i64: 1024, 128>}, {transform_indices = @transform_2, window_bounds = array<i64: 1024, 1>}, {transform_indices = @transform_3, window_bounds = array<i64: 1024, 128>}]} {
    %broadcast_in_dim3A = arith.constant 1.000000e+00 : f32
    %broadcast_in_dim3A_0 = vector.broadcast %broadcast_in_dim3A : f32 to vector<32x1xf32>
    %get3A = arith.constant 0 : index
    %get3A_1 = arith.constant 0 : index
    %get3A_2 = vector.load %arg1[%get3A, %get3A_1] : memref<32x1024xf32, #tpu.memory_space<vmem>>, vector<32x1024xf32>
    %dot_general3A = arith.constant dense<0.000000e+00> : vector<1024x1xf32>
    %dot_general3A_3 = tpu.matmul %get3A_2, %broadcast_in_dim3A_0, %dot_general3A {dimension_numbers = #tpu.dot_dimension_numbers<[0], [0], [1], [1], [0, 1, 1, 1], [], []>, precision = #tpu.contract_precision<fp32>, transpose_lhs_hint = false} : vector<32x1024xf32>, vector<32x1xf32>, vector<1024x1xf32> -> vector<1024x1xf32>
    %add3A = arith.constant 1.000000e+00 : f32
    %add3A_4 = vector.broadcast %add3A : f32 to vector<1024x1xf32>
    %add3A_5 = arith.addf %dot_general3A_3, %add3A_4 : vector<1024x1xf32>
    %rsqrt3A = math.rsqrt %add3A_5 : vector<1024x1xf32>
    %swap3A = arith.constant 0 : index
    %swap3A_6 = arith.constant 0 : index
    %swap3A_7 = vector.load %arg3[%swap3A, %swap3A_6] : memref<1024x1xf32, #tpu.memory_space<vmem>>, vector<1024x1xf32>
    tpu.vector_store %arg3[%swap3A, %swap3A_6], %rsqrt3A {strides = array<i32>} : memref<1024x1xf32, #tpu.memory_space<vmem>>, vector<1024x1xf32>,
    %get3A_8 = arith.constant 0 : index
    %get3A_9 = arith.constant 0 : index
    %get3A_10 = vector.load %arg2[%get3A_8, %get3A_9] : memref<1024x128xf32, #tpu.memory_space<vmem>>, vector<1024x128xf32>
    %mul3A = vector.broadcast %rsqrt3A : vector<1024x1xf32> to vector<1024x128xf32>
    %mul3A_11 = arith.mulf %mul3A, %get3A_10 : vector<1024x128xf32>
    %swap3A_12 = arith.constant 0 : index
    %swap3A_13 = arith.constant 0 : index
    %swap3A_14 = vector.load %arg4[%swap3A_12, %swap3A_13] : memref<1024x128xf32, #tpu.memory_space<vmem>>, vector<1024x128xf32>
    tpu.vector_store %arg4[%swap3A_12, %swap3A_13], %mul3A_11 {strides = array<i32>} : memref<1024x128xf32, #tpu.memory_space<vmem>>, vector<1024x128xf32>,
    return
  }
  func.func @transform_0(%arg0: i32) -> (i32, i32) {
    %c0_i32 = arith.constant 0 : i32
    %c0_i32_0 = arith.constant 0 : i32
    return %c0_i32, %arg0 : i32, i32
  }
  func.func @transform_1(%arg0: i32) -> (i32, i32) {
    %c0_i32 = arith.constant 0 : i32
    %c0_i32_0 = arith.constant 0 : i32
    return %arg0, %c0_i32 : i32, i32
  }
  func.func @transform_2(%arg0: i32) -> (i32, i32) {
    %c0_i32 = arith.constant 0 : i32
    %c0_i32_0 = arith.constant 0 : i32
    return %arg0, %c0_i32 : i32, i32
  }
  func.func @transform_3(%arg0: i32) -> (i32, i32) {
    %c0_i32 = arith.constant 0 : i32
    %c0_i32_0 = arith.constant 0 : i32
    return %arg0, %c0_i32 : i32, i32
  }
}

module attributes {stable_mosaic.version = 14 : i64} {
  func.func @body(%arg0: i32, %arg1: memref<400x128xf32, #tpu.memory_space<vmem>>, %arg2: memref<400x128xf32, #tpu.memory_space<vmem>>, %arg3: memref<2x400x128xf32, #tpu.memory_space<vmem>>, %arg4: memref<400x1xf32, #tpu.memory_space<vmem>>, %arg5: memref<128x128xf32, #tpu.memory_space<vmem>>, %arg6: memref<1x128xf32, #tpu.memory_space<vmem>>, %arg7: memref<400x128xf32, #tpu.memory_space<vmem>>) attributes {dimension_semantics = [#tpu.dimension_semantics<arbitrary>], iteration_bounds = array<i64: 25>, scalar_prefetch = 0 : i64, scratch_operands = 0 : i64, tpu.core_type = #tpu.core_type<tc>, window_params = [{transform_indices = @transform_0, window_bounds = array<i64: 400, 128>}, {transform_indices = @transform_1, window_bounds = array<i64: 400, 128>}, {transform_indices = @transform_2, window_bounds = array<i64: 2, 400, 128>}, {transform_indices = @transform_3, window_bounds = array<i64: 400, 1>}, {pipeline_mode = #tpu.pipeline_mode<synchronous>, transform_indices = @transform_4, window_bounds = array<i64: 128, 128>}, {pipeline_mode = #tpu.pipeline_mode<synchronous>, transform_indices = @transform_5, window_bounds = array<i64: 1, 128>}, {transform_indices = @transform_6, window_bounds = array<i64: 400, 128>}]} {
    %get3A = arith.constant 0 : index
    %get3A_0 = arith.constant 0 : index
    %get3A_1 = arith.constant 0 : index
    %get3A_2 = vector.load %arg3[%get3A, %get3A_0, %get3A_1] : memref<2x400x128xf32, #tpu.memory_space<vmem>>, vector<1x400x128xf32>
    %get3A_3 = vector.shape_cast %get3A_2 : vector<1x400x128xf32> to vector<400x128xf32>
    %get3A_4 = arith.constant 1 : index
    %get3A_5 = arith.constant 0 : index
    %get3A_6 = arith.constant 0 : index
    %get3A_7 = vector.load %arg3[%get3A_4, %get3A_5, %get3A_6] : memref<2x400x128xf32, #tpu.memory_space<vmem>>, vector<1x400x128xf32>
    %get3A_8 = vector.shape_cast %get3A_7 : vector<1x400x128xf32> to vector<400x128xf32>
    %add3A = arith.addf %get3A_3, %get3A_8 : vector<400x128xf32>
    %get3A_9 = arith.constant 0 : index
    %get3A_10 = arith.constant 0 : index
    %get3A_11 = vector.load %arg2[%get3A_9, %get3A_10] : memref<400x128xf32, #tpu.memory_space<vmem>>, vector<400x128xf32>
    %add3A_12 = arith.addf %add3A, %get3A_11 : vector<400x128xf32>
    %get3A_13 = arith.constant 0 : index
    %get3A_14 = arith.constant 0 : index
    %get3A_15 = vector.load %arg4[%get3A_13, %get3A_14] : memref<400x1xf32, #tpu.memory_space<vmem>>, vector<400x1xf32>
    %mul3A = vector.broadcast %get3A_15 : vector<400x1xf32> to vector<400x128xf32>
    %mul3A_16 = arith.mulf %add3A_12, %mul3A : vector<400x128xf32>
    %get3A_17 = arith.constant 0 : index
    %get3A_18 = arith.constant 0 : index
    %get3A_19 = vector.load %arg5[%get3A_17, %get3A_18] : memref<128x128xf32, #tpu.memory_space<vmem>>, vector<128x128xf32>
    %dot_general3A = arith.constant dense<0.000000e+00> : vector<400x128xf32>
    %dot_general3A_20 = tpu.matmul %mul3A_16, %get3A_19, %dot_general3A {dimension_numbers = #tpu.dot_dimension_numbers<[1], [0], [0], [1], [0, 0, 1, 1], [], []>, precision = #tpu.contract_precision<fp32>, transpose_lhs_hint = false} : vector<400x128xf32>, vector<128x128xf32>, vector<400x128xf32> -> vector<400x128xf32>
    %get3A_21 = arith.constant 0 : index
    %get3A_22 = arith.constant 0 : index
    %get3A_23 = vector.load %arg1[%get3A_21, %get3A_22] : memref<400x128xf32, #tpu.memory_space<vmem>>, vector<400x128xf32>
    %get3A_24 = arith.constant 0 : index
    %get3A_25 = arith.constant 0 : index
    %get3A_26 = vector.load %arg6[%get3A_24, %get3A_25] : memref<1x128xf32, #tpu.memory_space<vmem>>, vector<1x128xf32>
    %add3A_27 = vector.broadcast %get3A_26 : vector<1x128xf32> to vector<400x128xf32>
    %add3A_28 = arith.addf %dot_general3A_20, %add3A_27 : vector<400x128xf32>
    %max3A = arith.constant 0.000000e+00 : f32
    %max3A_29 = vector.broadcast %max3A : f32 to vector<400x128xf32>
    %max3A_30 = arith.maximumf %add3A_28, %max3A_29 : vector<400x128xf32>
    %add3A_31 = arith.addf %get3A_23, %max3A_30 : vector<400x128xf32>
    %swap3A = arith.constant 0 : index
    %swap3A_32 = arith.constant 0 : index
    %swap3A_33 = vector.load %arg7[%swap3A, %swap3A_32] : memref<400x128xf32, #tpu.memory_space<vmem>>, vector<400x128xf32>
    tpu.vector_store %arg7[%swap3A, %swap3A_32], %add3A_31 {strides = array<i32>} : memref<400x128xf32, #tpu.memory_space<vmem>>, vector<400x128xf32>,
    return
  }
  func.func @transform_0(%arg0: i32) -> (i32, i32) {
    %c0_i32 = arith.constant 0 : i32
    %c0_i32_0 = arith.constant 0 : i32
    return %arg0, %c0_i32 : i32, i32
  }
  func.func @transform_1(%arg0: i32) -> (i32, i32) {
    %c0_i32 = arith.constant 0 : i32
    %c0_i32_0 = arith.constant 0 : i32
    return %arg0, %c0_i32 : i32, i32
  }
  func.func @transform_2(%arg0: i32) -> (i32, i32, i32) {
    %c0_i32 = arith.constant 0 : i32
    %c0_i32_0 = arith.constant 0 : i32
    %c0_i32_1 = arith.constant 0 : i32
    return %c0_i32, %arg0, %c0_i32_0 : i32, i32, i32
  }
  func.func @transform_3(%arg0: i32) -> (i32, i32) {
    %c0_i32 = arith.constant 0 : i32
    %c0_i32_0 = arith.constant 0 : i32
    return %arg0, %c0_i32 : i32, i32
  }
  func.func @transform_4(%arg0: i32) -> (i32, i32) {
    %c0_i32 = arith.constant 0 : i32
    %c0_i32_0 = arith.constant 0 : i32
    %c0_i32_1 = arith.constant 0 : i32
    return %c0_i32, %c0_i32_0 : i32, i32
  }
  func.func @transform_5(%arg0: i32) -> (i32, i32) {
    %c0_i32 = arith.constant 0 : i32
    %c0_i32_0 = arith.constant 0 : i32
    %c0_i32_1 = arith.constant 0 : i32
    return %c0_i32, %c0_i32_0 : i32, i32
  }
  func.func @transform_6(%arg0: i32) -> (i32, i32) {
    %c0_i32 = arith.constant 0 : i32
    %c0_i32_0 = arith.constant 0 : i32
    return %arg0, %c0_i32 : i32, i32
  }
}

</mosaic_0001>

<sc_bundles>
// kernel: kernel.6.cloned.1.call-start
scs
__scs_entry_jumppad:
0x0: {  	(pc) =	sbr.rel $0x88, $3  }
0x1: {  	(tag) =	ssettag $0x0;
	lr =	simm.s32 $0x1  }
0x2: {  	[smem:$0x3F9D] =	sst lr;
	_ =	strace $0xD0000000  }
0x3: {  	_ = 	snop  }
0x4: {  	_ = 	snop  }
0x5: {  	_ = 	snop  }
0x6: {  	_ = 	snop  }
0x7: {  	_ = 	snop  }
__scs_overlays_trampoline_lowered:
0x8: {  	[smem:$0x3FAC] =	sst s0  }
0x9: {  	[smem:$0x3FAD] =	sst s1  }
0xa: {  	[smem:$0x3FAE] =	sst s2  }
0xb: {  	[smem:$0x3FAF] =	sst s3  }
0xc: {  	[smem:$0x3FB0] =	sst s4  }
0xd: {  	[smem:$0x3FB1] =	sst s5  }
0xe: {  	[smem:$0x3FB2] =	sst s6  }
0xf: {  	[smem:$0x3FB3] =	sst s7  }
0x10: {  	[smem:$0x3FB4] =	sst s8  }
0x11: {  	[smem:$0x3FB5] =	sst s9;
	s0 =	simm.s32 @!p0 $0x0  }
0x12: {  	s1 =	sld [smem:$0x3F9B];
	s0 =	simm.s32 @p0 $0x1  }
0x13: {  	[smem:$0x3FB6] =	sst s0;
	s0 =	simm.s32 @!p1 $0x0  }
0x14: {  	s2 =	sld [smem:$0x3F9A];
	s0 =	simm.s32 @p1 $0x1  }
0x15: {  	[smem:$0x3FB7] =	sst s0;
	s0 =	simm.s32 @!p2 $0x0  }
0x16: {  	s3 =	sld [smem:$0x3FDB];
	s0 =	simm.s32 @p2 $0x1  }
0x17: {  	s4 =	simm.s32 $0x1BF5;
	[smem:$0x3FB9] =	sst s0  }
0x18: {  	s0 =	sld [smem:$0x3F9C];
	_ =	swait.ge [sflag:s4], $0x0  }
0x19: {  	s7 =	sld [smem:$0x3F9D]  }
0x1a: {  	s8 =	sadd.s32 $0xFFFFE003, lr  }
0x1b: {  	s9 =	sadd.s32 $0xFFFFFEF7, lr;
	s5 =	simm.s32 $0xFFFFFFFF;
	p2 =	slt.u32 s8, $0xFFFFF086  }
0x1c: {  	p1 =	slt.u32 s9, $0xF7A;
	s5 =	simm.s32 @!p2 $0x0  }
0x1d: {  	s5 =	simm.s32 @p1 $0x1;
	p0 =	seq.s32 s7, s2  }
0x1e: {  	s7 =	smul.u32 @!p0 $0xF7A, s2;
	p2 =	seq.s32 @!p0 s5, $0x0  }
0x1f: {  	s9 =	smul.u32 $0xF7A, s1;
	s8 =	simm.s32 @!p0 $0x1BF5;
	p2 =	por !p2, p0  }
0x20: {  	[sflag:s8] =	ssyncset.s32 @!p0 $0xFFFFF086;
	s6 =	sadd.s32 @!p0 s3, s7;
	s7 =	simm.s32 @!p0 $0x108  }
0x21: {  	s3 =	sadd.s32 s3, s9;
	s6 =	sadd.s32 @!p0 $0x88, s6;
	s7 =	simm.s32 @p2 $0x1082  }
0x22: {  	[simem:s7], [sflag:s8] =	dma.local @!p0 [hbm:s6], $0xF7A  }
0x23: {  	s9 =	sor.u32 $0xD0000000, s2;
	s6 =	simm.s32 $0x108;
	_ =	swait.ge @!p0 [sflag:s8], $0x0  }
0x24: {  	s3 =	sadd.s32 $0x88, s3;
	s6 =	simm.s32 @!p1 $0x1082;
	[sflag:s4] =	ssyncset.s32 $0xFFFFF086  }
0x25: {  	[simem:s6], [sflag:s4] =	dma.local [hbm:s3], $0xF7A  }
0x26: {  	[smem:$0x3F9D] =	sst s1;
	(tag) =	ssettag s2;
	_ =	strace s9  }
0x27: {  	s1 =	sld [smem:$0x3FAD]  }
0x28: {  	s2 =	sld [smem:$0x3FAE]  }
0x29: {  	s4 =	sld [smem:$0x3FB0]  }
0x2a: {  	p0 =	seq.s32 s5, $0x0;
	s5 =	sld [smem:$0x3FB1]  }
0x2b: {  	s6 =	sld [smem:$0x3FB2]  }
0x2c: {  	s7 =	sld [smem:$0x3FB3]  }
0x2d: {  	s3 =	simm.s32 $0x108;
	s8 =	sld [smem:$0x3FB4]  }
0x2e: {  	s3 =	simm.s32 @!p0 $0x1082;
	s9 =	sld [smem:$0x3FB5]  }
0x2f: {  	lr =	sadd.s32 s0, s3;
	s0 =	sld [smem:$0x3FAC]  }
0x30: {  	s3 =	sld [smem:$0x3FAF]  }
0x31: {  	[smem:$0x3FB8] =	sst s10  }
0x32: {  	s10 =	sld [smem:$0x3FB6];
	_ =	sdelay $0x3  }
0x33: {  	p0 =	seq.s32 s10, $0x1;
	s10 =	sld [smem:$0x3FB8];
	_ =	sdelay $0x3  }
0x34: {  	[smem:$0x3FB8] =	sst s10  }
0x35: {  	s10 =	sld [smem:$0x3FB7];
	_ =	sdelay $0x3  }
0x36: {  	p1 =	seq.s32 s10, $0x1;
	s10 =	sld [smem:$0x3FB8];
	_ =	sdelay $0x3  }
0x37: {  	[smem:$0x3FB8] =	sst s10  }
0x38: {  	s10 =	sld [smem:$0x3FB9]  }
0x39: {  	_ = 	snop;
	(pc) =	sbr.ind lr, $3  }
0x3a: {  	_ = 	snop  }
0x3b: {  	_ = 	snop  }
0x3c: {  	p2 =	seq.s32 s10, $0x1;
	s10 =	sld [smem:$0x3FB8]  }
0x3d: {  	_ =	shalt  }
0x3e: {  	_ =	shalt  }
0x3f: {  	_ =	shalt  }
0x40: {  	_ =	shalt  }
0x41: {  	_ =	shalt  }
0x42: {  	_ =	shalt  }
0x43: {  	_ =	shalt  }
0x44: {  	_ =	shalt  }
0x45: {  	_ =	shalt  }
0x46: {  	_ =	shalt  }
0x47: {  	_ =	shalt  }
0x48: {  	_ =	shalt  }
0x49: {  	_ =	shalt  }
0x4a: {  	_ =	shalt  }
0x4b: {  	_ =	shalt  }
0x4c: {  	_ =	shalt  }
0x4d: {  	_ =	shalt  }
0x4e: {  	_ =	shalt  }
0x4f: {  	_ =	shalt  }
0x50: {  	_ =	shalt  }
0x51: {  	_ =	shalt  }
0x52: {  	_ =	shalt  }
0x53: {  	_ =	shalt  }
0x54: {  	_ =	shalt  }
0x55: {  	_ =	shalt  }
0x56: {  	_ =	shalt  }
0x57: {  	_ =	shalt  }
0x58: {  	_ =	shalt  }
0x59: {  	_ =	shalt  }
0x5a: {  	_ =	shalt  }
0x5b: {  	_ =	shalt  }
0x5c: {  	_ =	shalt  }
0x5d: {  	_ =	shalt  }
0x5e: {  	_ =	shalt  }
0x5f: {  	_ =	shalt  }
0x60: {  	_ =	shalt  }
0x61: {  	_ =	shalt  }
0x62: {  	_ =	shalt  }
0x63: {  	_ =	shalt  }
0x64: {  	_ =	shalt  }
0x65: {  	_ =	shalt  }
0x66: {  	_ =	shalt  }
0x67: {  	_ =	shalt  }
0x68: {  	_ =	shalt  }
0x69: {  	_ =	shalt  }
0x6a: {  	_ =	shalt  }
0x6b: {  	_ =	shalt  }
0x6c: {  	_ =	shalt  }
0x6d: {  	_ =	shalt  }
0x6e: {  	_ =	shalt  }
0x6f: {  	_ =	shalt  }
0x70: {  	_ =	shalt  }
0x71: {  	_ =	shalt  }
0x72: {  	_ =	shalt  }
0x73: {  	_ =	shalt  }
0x74: {  	_ =	shalt  }
0x75: {  	_ =	shalt  }
0x76: {  	_ =	shalt  }
0x77: {  	_ =	shalt  }
0x78: {  	_ =	shalt  }
0x79: {  	_ =	shalt  }
0x7a: {  	_ =	shalt  }
0x7b: {  	_ =	shalt  }
0x7c: {  	_ =	shalt  }
0x7d: {  	_ =	shalt  }
0x7e: {  	_ =	shalt  }
0x7f: {  	_ =	shalt  }
0x80: {  	_ =	shalt  }
0x81: {  	_ =	shalt  }
0x82: {  	_ =	shalt  }
0x83: {  	_ =	shalt  }
0x84: {  	_ =	shalt  }
0x85: {  	_ =	shalt  }
0x86: {  	_ =	shalt  }
0x87: {  	_ =	shalt  }
.Lfunc_end0:
.L_simem_size_0:
called_computation_lowered:
.L_overlay_start_0:
0x88: {  	s2 =	sld [smem:$0x3FD9]  }
0x89: {  	s3 =	sld [smem:$0x3FFE];
	_ =	sdelay $0x1  }
0x8a: {  	s1 =	srdreg.scid  }
0x8b: {  	s0 =	sand.u32 $0x1, s1  }
0x8c: {  	s17 =	sshll.u32 s0, $0xA;
	s2 =	sadd.s32 s3, s2  }
0x8d: {  	s2 =	sadd.s32 s2, s17  }
0x8e: {  	[smem:$0x3FC4] =	sst s2  }
0x8f: {  	_ = 	snop  }
0x90: {  	s2 =	sld [smem:$0x3FD0];
	(tm) =	ssettm $0x1  }
0x91: {  	s18 =	sld [smem:$0x3FFB];
	_ =	sdelay $0x3  }
0x92: {  	_ =	strace s18  }
0x93: {  	s3 =	sld [smem:$0x3FFC];
	_ =	sdelay $0x3  }
0x94: {  	_ =	strace s3  }
0x95: {  	s3 =	sld [smem:$0x3FFD];
	_ =	sdelay $0x3  }
0x96: {  	_ =	strace s3  }
0x97: {  	_ =	strace $0x8FFFFFFF  }
0x98: {  	s19 =	sld [smem:$0x3FDB];
	_ =	sdelay $0x1  }
0x99: {  	s4 =	simm.s32 $_scs_section_size  }
0x9a: {  	s5 =	simm.s32 $_size__tile_overlayer_lowered;
	s6 =	simm.s32 $_tile_overlayer_lowered  }
0x9b: {  	s22 =	simm.s32 $0x1BFF;
	s21 =	sshll.u32 s6, $0x1;
	s3 =	sadd.s32 s4, s19  }
0x9c: {  	s7 =	simm.s32 $0x0;
	s20 =	sshll.u32 s5, $0x1;
	s5 =	sadd.s32 s21, s3  }
0x9d: {  	[timem:s7], [sflag:s22] =	dma.local [hbm:s5], s20  }
0x9e: {  	_ =	swait.ge [sflag:s22], s20  }
0x9f: {  	s4 =	ssub.s32 $0x0, s20;
	[sflag:s22] =	ssyncset.done $0x0  }
0xa0: {  	[sflag:s22] =	ssyncadd.s32 s4;
	_ =	sdelay $0x1  }
0xa1: {  	s23 =	simm.s32 $0x1B8B  }
0xa2: {  	_ =	swait.ge [sflag:s23], $0x1  }
0xa3: {  	[sflag:s23] =	ssyncset.done $0x0  }
0xa4: {  	s25 =	simm.s32 $0x1B8E;
	s24 =	sld [smem:$0x3FFE];
	[sflag:s23] =	ssyncadd.s32 $0xFFFFFFFF  }
0xa5: {  	s26 =	simm.s32 $execute0_lowered;
	[smem:$0x3FD2] =	sst s25  }
0xa6: {  	s5 =	sshll.u32 s26, $0x1;
	_ =	strace $0x80000046;
	[dreg:$0x1] =	wrdreg $0xFFFFFFFF  }
0xa7: {  	s28 =	simm.s32 $_size_execute0_lowered;
	s3 =	sadd.s32 s3, s5;
	[dreg:$0x0] =	wrdreg $0x0  }
0xa8: {  	s5 =	sshll.u32 s28, $0x1;
	[dreg:$0x2] =	wrdreg s3  }
0xa9: {  	[dreg:$0x3] =	wrdreg s5  }
0xaa: {  	[dreg:$0x4] =	wrdreg $0xC0  }
0xab: {  	_ =	task [dreg:s7], $0x5FFFF  }
0xac: {  	[dreg:$0x1] =	wrdreg $0xFFFFFFFF  }
0xad: {  	[dreg:$0x0] =	wrdreg $0x60  }
0xae: {  	[dreg:$0x2] =	wrdreg s24  }
0xaf: {  	[dreg:$0x3] =	wrdreg s2  }
0xb0: {  	[dreg:$0x4] =	wrdreg $0x9  }
0xb1: {  	_ =	task.clear_ibuf [dreg:s7], $0x5FFFF;
	_ =	strace $0x90000046  }
0xb2: {  	s29 =	simm.s32 $0x9;
	_ =	strace $0x80000048  }
0xb3: {  	_ =	swait.ge [sflag:s29], $0x1  }
0xb4: {  	[sflag:s29] =	ssyncadd.s32 $0xFFFFFFFF  }
0xb5: {  	_ =	strace $0x90000048  }
0xb6: {  	_ =	sfence  }
0xb7: {  	s30 =	sld [smem:$0x0];
	_ =	sdelay $0x2  }
0xb8: {  	s31 =	sshll.u32 s1, $0xD;
	s1 =	sshrl.u32 s1, $0x2  }
0xb9: {  	s3 =	sand.u32 $0x4000, s31;
	s1 =	sadd.s32 s1, s30  }
0xba: {  	s0 =	sor.u32 s3, s0;
	s1 =	sshll.u32 s1, $0x11  }
0xbb: {  	s0 =	sor.u32 s1, s0  }
0xbc: {  	s0 =	sadd.s32 $0x8F2B, s0  }
0xbd: {  	[sflag:s0] =	ssyncadd.remote.s32 $0x1  }
0xbe: {  	_ =	sfence.sel $0xFFFF  }
0xbf: {  	[dreg:$0x0] =	wrdreg $0xFFFFFFFF;
	(pc) =	sbr.abs _section_cstart, $3  }
0xc0: {  	[dreg:$0x1] =	wrdreg $0xFFFFFFFF  }
0xc1: {  	_ =	task.clear_ibuf [dreg:s7], $0x2FFFF;
	_ =	strace $0x9FFFFFFF  }
0xc2: {  	(tm) =	ssettm $0x7FFFFFFF  }
0xc3: {  	_ =	shalt  }
tec
execute0_lowered:
.L_overlay_start_1:
0x0: {  	(tag) =	ssettag $0x1  }
0x1: {  	s0 =	srdreg.scid;
	s3 =	rddreg [dreg:$0x0]  }
0x2: {  	s5 =	rddreg [dreg:$0x1];
	s1 =	stileid.u32;
	s4 =	sand.u32 $0x1, s0  }
0x3: {  	s9 =	simm.s32 $0x400;
	s0 =	rddreg [dreg:$0x2];
	s2 =	sshll.u32 s4, $0x4  }
0x4: {  	s8 =	sshll.u32 s1, $0x7;
	s4 =	ssub.s32 $0x2, s4;
	s6 =	sor.u32 s1, s2  }
0x5: {  	s2 =	simm.s32 $0x0;
	s7 =	smul.u32 $0x4E2, s6;
	s6 =	sshrl.u32 s6, $0x3  }
0x6: {  	s8 =	sand.u32 $0x380, s8;
	[smem:$0x7FF] =	sst s2;
	s6 =	smul.u32 $0x14000, s6  }
0x7: {  	s30 =	sshrl.u32 s4, $0x1;
	_ =	strace $0x80000047;
	s3 =	sadd.s32 s7, s3  }
0x8: {  	s7 =	ssub.s32 s4, s30;
	s6 =	sor.u32 s8, s6;
	s3 =	sadd.s32 $0x1E00, s3  }
0x9: {  	s8 =	simm.s32 $0x80;
	s31 =	sshrl.u32 s6, $0x3;
	s6 =	simm.s32 $0x1  }
0xa: {  	v0 =	vimm.f32 $0.0e+00;
	v1 =	vimm.f32 $1.000000000e+00;
	s4 =	sadd.s32 s5, s31;
	s5 =	smax.u32 s7, $0x1;
	s7 =	simm.s32 $0x2780  }
.LBB2_1:
0xb: {  	s10 =	simm.s32 $0x40;
	s11 =	simm.s32 $0x0  }
.LBB2_2:
0xc: {  	p0 =	sne.s32 s10, $0x9FC0;
	[tilespmem:s11+$0x2780] =	vst v0;
	s11 =	smov.u32 s10;
	s10 =	sadd.s32 $0x40, s10  }
.Ltmp0:
0xd: {  	(pc) =	sbr.rel @p0 .LBB2_2-.Ltmp0, $2  }
0xe: {  	_ =	sdelay $0x2  }
0xf: {  	s11 =	sshra.s32 s11, $0x2  }
0x10: {  	[tilespmem:s11+$0x2780] =	vst v0;
	s10 =	simm.s32 $0x0  }
0x11: {  	[tilespmem:s10], [sflag:$0x1] =	stream.linear.gather [hbm4b:s3+s10], $0x2710, $0x38;
	[tilespmem:$0x4F80] =	vst v63  }
0x12: {  	_ =	swait.ge [sflag:s6], $0x2710  }
0x13: {  	[sflag:s6] =	ssyncset.done $0x0  }
0x14: {  	s11 =	simm.s32 $0x0;
	s10 =	simm.s32 $0x40;
	[sflag:s6] =	ssyncadd.s32 $0xFFFFD8F0  }
.LBB2_4:
0x15: {  	p0 =	sne.s32 s10, $0x9C00;
	v2 =	vld [tilespmem:s11+$0x0];
	_ =	sdelay $0x3  }
.Ltmp1:
0x16: {  	(pc) =	sbr.rel @p0 .LBB2_4-.Ltmp1, $2  }
0x17: {  	_ =	sdelay $0x2  }
0x18: {  	s11 =	sshra.s32 s10, $0x2;
	s10 =	sadd.s32 $0x40, s10;
	[tilespmem:v2+s7+$0x0] =	vst.idx.add.f32.msk $0xffff, v1  }
0x19: {  	v2 =	vld [tilespmem:s11+$0x0];
	_ =	sdelay $0x5  }
0x1a: {  	s2 =	sadd.s32 $0x1, s2  }
0x1b: {  	p0 =	sne.s32 s2, s5  }
.Ltmp2:
0x1c: {  	[tilespmem:v2+s7+$0x0] =	vst.idx.add.f32.msk $0xffff, v1;
	(pc) =	sbr.rel @p0 .LBB2_1-.Ltmp2, $4  }
0x1d: {  	[hbm4b:s4+s8] =	stream.strided.scatter [tilespmem:s7], [sflag:$0x1], $0x2800, s9, s8, $0x38;
	[tilespmem:$0x4F80] =	vst v63  }
0x1e: {  	_ =	swait.ge [sflag:s6], $0x2800  }
0x1f: {  	[sflag:s6] =	ssyncset.done $0x0  }
0x20: {  	[sflag:s6] =	ssyncadd.s32 $0xFFFFD800  }
0x21: {  	_ =	sfence.sel $0x180000  }
0x22: {  	[bflag:$0x0] =	sbarrier.arrive $0xFFFF  }
0x23: {  	p0 =	sne.s32 s1, $0x0;
	_ =	strace $0x90000047  }
0x24: {  	s0 =	sadd.s32 @!p0 $0x100000, s0;
	[bflag:$0x2] =	sbarrier.arrive $0xFFFF  }
0x25: {  	[sflag:s0] =	ssyncadd.tile.s32 @!p0 $0x1;
	_ =	shalt  }
.Lfunc_end2:
_tile_overlayer_lowered:
.L_overlay_start_2:
0x26: {  	(tag) =	ssettag $0x2  }
0x27: {  	s0 =	rddreg [dreg:$0x0];
	s2 =	stileid.u32  }
0x28: {  	s1 =	rddreg [dreg:$0x1];
	p0 =	sne.s32 s2, $0x0  }
0x29: {  	s3 =	rddreg [dreg:$0x2];
	[bflag:$0x3] =	sbarrier.arrive $0xFFFF;
	s2 =	simm.s32 @!p0 $0x1C01  }
0x2a: {  	[timem:s3], [sflag:s2] =	dma.local @!p0 [hbm:s0], s1  }
0x2b: {  	s0 =	simm.s32 @!p0 $0x1  }
0x2c: {  	_ =	swait.ge @!p0 [sflag:s0], s1  }
0x2d: {  	s1 =	ssub.s32 @!p0 $0x0, s1;
	[sflag:s0] =	ssyncset.done @!p0 $0x0  }
0x2e: {  	[sflag:s0] =	ssyncadd.s32 @!p0 s1  }
0x2f: {  	[bflag:$0x3] =	sbarrier.arrive $0xFFFF  }
0x30: {  	_ =	shalt  }

// kernel: kernel.9.cloned.1.call-start
scs
__scs_entry_jumppad:
0x0: {  	(pc) =	sbr.rel $0x88, $3  }
0x1: {  	(tag) =	ssettag $0x0;
	lr =	simm.s32 $0x1  }
0x2: {  	[smem:$0x3F9D] =	sst lr;
	_ =	strace $0xD0000000  }
0x3: {  	_ = 	snop  }
0x4: {  	_ = 	snop  }
0x5: {  	_ = 	snop  }
0x6: {  	_ = 	snop  }
0x7: {  	_ = 	snop  }
__scs_overlays_trampoline_lowered:
0x8: {  	[smem:$0x3FAC] =	sst s0  }
0x9: {  	[smem:$0x3FAD] =	sst s1  }
0xa: {  	[smem:$0x3FAE] =	sst s2  }
0xb: {  	[smem:$0x3FAF] =	sst s3  }
0xc: {  	[smem:$0x3FB0] =	sst s4  }
0xd: {  	[smem:$0x3FB1] =	sst s5  }
0xe: {  	[smem:$0x3FB2] =	sst s6  }
0xf: {  	[smem:$0x3FB3] =	sst s7  }
0x10: {  	[smem:$0x3FB4] =	sst s8  }
0x11: {  	[smem:$0x3FB5] =	sst s9;
	s0 =	simm.s32 @!p0 $0x0  }
0x12: {  	s1 =	sld [smem:$0x3F9B];
	s0 =	simm.s32 @p0 $0x1  }
0x13: {  	[smem:$0x3FB6] =	sst s0;
	s0 =	simm.s32 @!p1 $0x0  }
0x14: {  	s2 =	sld [smem:$0x3F9A];
	s0 =	simm.s32 @p1 $0x1  }
0x15: {  	[smem:$0x3FB7] =	sst s0;
	s0 =	simm.s32 @!p2 $0x0  }
0x16: {  	s3 =	sld [smem:$0x3FDB];
	s0 =	simm.s32 @p2 $0x1  }
0x17: {  	s4 =	simm.s32 $0x1BF5;
	[smem:$0x3FB9] =	sst s0  }
0x18: {  	s0 =	sld [smem:$0x3F9C];
	_ =	swait.ge [sflag:s4], $0x0  }
0x19: {  	s7 =	sld [smem:$0x3F9D]  }
0x1a: {  	s8 =	sadd.s32 $0xFFFFE003, lr  }
0x1b: {  	s9 =	sadd.s32 $0xFFFFFEF7, lr;
	s5 =	simm.s32 $0xFFFFFFFF;
	p2 =	slt.u32 s8, $0xFFFFF086  }
0x1c: {  	p1 =	slt.u32 s9, $0xF7A;
	s5 =	simm.s32 @!p2 $0x0  }
0x1d: {  	s5 =	simm.s32 @p1 $0x1;
	p0 =	seq.s32 s7, s2  }
0x1e: {  	s7 =	smul.u32 @!p0 $0xF7A, s2;
	p2 =	seq.s32 @!p0 s5, $0x0  }
0x1f: {  	s9 =	smul.u32 $0xF7A, s1;
	s8 =	simm.s32 @!p0 $0x1BF5;
	p2 =	por !p2, p0  }
0x20: {  	[sflag:s8] =	ssyncset.s32 @!p0 $0xFFFFF086;
	s6 =	sadd.s32 @!p0 s3, s7;
	s7 =	simm.s32 @!p0 $0x108  }
0x21: {  	s3 =	sadd.s32 s3, s9;
	s6 =	sadd.s32 @!p0 $0x88, s6;
	s7 =	simm.s32 @p2 $0x1082  }
0x22: {  	[simem:s7], [sflag:s8] =	dma.local @!p0 [hbm:s6], $0xF7A  }
0x23: {  	s9 =	sor.u32 $0xD0000000, s2;
	s6 =	simm.s32 $0x108;
	_ =	swait.ge @!p0 [sflag:s8], $0x0  }
0x24: {  	s3 =	sadd.s32 $0x88, s3;
	s6 =	simm.s32 @!p1 $0x1082;
	[sflag:s4] =	ssyncset.s32 $0xFFFFF086  }
0x25: {  	[simem:s6], [sflag:s4] =	dma.local [hbm:s3], $0xF7A  }
0x26: {  	[smem:$0x3F9D] =	sst s1;
	(tag) =	ssettag s2;
	_ =	strace s9  }
0x27: {  	s1 =	sld [smem:$0x3FAD]  }
0x28: {  	s2 =	sld [smem:$0x3FAE]  }
0x29: {  	s4 =	sld [smem:$0x3FB0]  }
0x2a: {  	p0 =	seq.s32 s5, $0x0;
	s5 =	sld [smem:$0x3FB1]  }
0x2b: {  	s6 =	sld [smem:$0x3FB2]  }
0x2c: {  	s7 =	sld [smem:$0x3FB3]  }
0x2d: {  	s3 =	simm.s32 $0x108;
	s8 =	sld [smem:$0x3FB4]  }
0x2e: {  	s3 =	simm.s32 @!p0 $0x1082;
	s9 =	sld [smem:$0x3FB5]  }
0x2f: {  	lr =	sadd.s32 s0, s3;
	s0 =	sld [smem:$0x3FAC]  }
0x30: {  	s3 =	sld [smem:$0x3FAF]  }
0x31: {  	[smem:$0x3FB8] =	sst s10  }
0x32: {  	s10 =	sld [smem:$0x3FB6];
	_ =	sdelay $0x3  }
0x33: {  	p0 =	seq.s32 s10, $0x1;
	s10 =	sld [smem:$0x3FB8];
	_ =	sdelay $0x3  }
0x34: {  	[smem:$0x3FB8] =	sst s10  }
0x35: {  	s10 =	sld [smem:$0x3FB7];
	_ =	sdelay $0x3  }
0x36: {  	p1 =	seq.s32 s10, $0x1;
	s10 =	sld [smem:$0x3FB8];
	_ =	sdelay $0x3  }
0x37: {  	[smem:$0x3FB8] =	sst s10  }
0x38: {  	s10 =	sld [smem:$0x3FB9]  }
0x39: {  	_ = 	snop;
	(pc) =	sbr.ind lr, $3  }
0x3a: {  	_ = 	snop  }
0x3b: {  	_ = 	snop  }
0x3c: {  	p2 =	seq.s32 s10, $0x1;
	s10 =	sld [smem:$0x3FB8]  }
0x3d: {  	_ =	shalt  }
0x3e: {  	_ =	shalt  }
0x3f: {  	_ =	shalt  }
0x40: {  	_ =	shalt  }
0x41: {  	_ =	shalt  }
0x42: {  	_ =	shalt  }
0x43: {  	_ =	shalt  }
0x44: {  	_ =	shalt  }
0x45: {  	_ =	shalt  }
0x46: {  	_ =	shalt  }
0x47: {  	_ =	shalt  }
0x48: {  	_ =	shalt  }
0x49: {  	_ =	shalt  }
0x4a: {  	_ =	shalt  }
0x4b: {  	_ =	shalt  }
0x4c: {  	_ =	shalt  }
0x4d: {  	_ =	shalt  }
0x4e: {  	_ =	shalt  }
0x4f: {  	_ =	shalt  }
0x50: {  	_ =	shalt  }
0x51: {  	_ =	shalt  }
0x52: {  	_ =	shalt  }
0x53: {  	_ =	shalt  }
0x54: {  	_ =	shalt  }
0x55: {  	_ =	shalt  }
0x56: {  	_ =	shalt  }
0x57: {  	_ =	shalt  }
0x58: {  	_ =	shalt  }
0x59: {  	_ =	shalt  }
0x5a: {  	_ =	shalt  }
0x5b: {  	_ =	shalt  }
0x5c: {  	_ =	shalt  }
0x5d: {  	_ =	shalt  }
0x5e: {  	_ =	shalt  }
0x5f: {  	_ =	shalt  }
0x60: {  	_ =	shalt  }
0x61: {  	_ =	shalt  }
0x62: {  	_ =	shalt  }
0x63: {  	_ =	shalt  }
0x64: {  	_ =	shalt  }
0x65: {  	_ =	shalt  }
0x66: {  	_ =	shalt  }
0x67: {  	_ =	shalt  }
0x68: {  	_ =	shalt  }
0x69: {  	_ =	shalt  }
0x6a: {  	_ =	shalt  }
0x6b: {  	_ =	shalt  }
0x6c: {  	_ =	shalt  }
0x6d: {  	_ =	shalt  }
0x6e: {  	_ =	shalt  }
0x6f: {  	_ =	shalt  }
0x70: {  	_ =	shalt  }
0x71: {  	_ =	shalt  }
0x72: {  	_ =	shalt  }
0x73: {  	_ =	shalt  }
0x74: {  	_ =	shalt  }
0x75: {  	_ =	shalt  }
0x76: {  	_ =	shalt  }
0x77: {  	_ =	shalt  }
0x78: {  	_ =	shalt  }
0x79: {  	_ =	shalt  }
0x7a: {  	_ =	shalt  }
0x7b: {  	_ =	shalt  }
0x7c: {  	_ =	shalt  }
0x7d: {  	_ =	shalt  }
0x7e: {  	_ =	shalt  }
0x7f: {  	_ =	shalt  }
0x80: {  	_ =	shalt  }
0x81: {  	_ =	shalt  }
0x82: {  	_ =	shalt  }
0x83: {  	_ =	shalt  }
0x84: {  	_ =	shalt  }
0x85: {  	_ =	shalt  }
0x86: {  	_ =	shalt  }
0x87: {  	_ =	shalt  }
.Lfunc_end0:
.L_simem_size_0:
called_computation.1_lowered:
.L_overlay_start_0:
0x88: {  	s2 =	sld [smem:$0x3FD9]  }
0x89: {  	s3 =	sld [smem:$0x3FFE];
	_ =	sdelay $0x1  }
0x8a: {  	s1 =	srdreg.scid  }
0x8b: {  	s0 =	sand.u32 $0x1, s1  }
0x8c: {  	s17 =	sshll.u32 s0, $0xA;
	s2 =	sadd.s32 s3, s2  }
0x8d: {  	s2 =	sadd.s32 s2, s17  }
0x8e: {  	[smem:$0x3FC4] =	sst s2  }
0x8f: {  	_ = 	snop  }
0x90: {  	s2 =	sld [smem:$0x3FD0];
	(tm) =	ssettm $0x1  }
0x91: {  	s18 =	sld [smem:$0x3FFB];
	_ =	sdelay $0x3  }
0x92: {  	_ =	strace s18  }
0x93: {  	s3 =	sld [smem:$0x3FFC];
	_ =	sdelay $0x3  }
0x94: {  	_ =	strace s3  }
0x95: {  	s3 =	sld [smem:$0x3FFD];
	_ =	sdelay $0x3  }
0x96: {  	_ =	strace s3  }
0x97: {  	_ =	strace $0x8FFFFFFF  }
0x98: {  	s19 =	sld [smem:$0x3FDB];
	_ =	sdelay $0x1  }
0x99: {  	s4 =	simm.s32 $_scs_section_size  }
0x9a: {  	s5 =	simm.s32 $_size__tile_overlayer_lowered;
	s6 =	simm.s32 $_tile_overlayer_lowered  }
0x9b: {  	s22 =	simm.s32 $0x1BFF;
	s21 =	sshll.u32 s6, $0x1;
	s3 =	sadd.s32 s4, s19  }
0x9c: {  	s7 =	simm.s32 $0x0;
	s20 =	sshll.u32 s5, $0x1;
	s5 =	sadd.s32 s21, s3  }
0x9d: {  	[timem:s7], [sflag:s22] =	dma.local [hbm:s5], s20  }
0x9e: {  	_ =	swait.ge [sflag:s22], s20  }
0x9f: {  	s4 =	ssub.s32 $0x0, s20;
	[sflag:s22] =	ssyncset.done $0x0  }
0xa0: {  	[sflag:s22] =	ssyncadd.s32 s4;
	_ =	sdelay $0x1  }
0xa1: {  	s23 =	simm.s32 $0x1B8B  }
0xa2: {  	_ =	swait.ge [sflag:s23], $0x1  }
0xa3: {  	[sflag:s23] =	ssyncset.done $0x0  }
0xa4: {  	s25 =	simm.s32 $0x1B8E;
	s24 =	sld [smem:$0x3FFE];
	[sflag:s23] =	ssyncadd.s32 $0xFFFFFFFF  }
0xa5: {  	s26 =	simm.s32 $execute0_lowered;
	[smem:$0x3FD2] =	sst s25  }
0xa6: {  	s5 =	sshll.u32 s26, $0x1;
	_ =	strace $0x80000049;
	[dreg:$0x1] =	wrdreg $0xFFFFFFFF  }
0xa7: {  	s28 =	simm.s32 $_size_execute0_lowered;
	s3 =	sadd.s32 s3, s5;
	[dreg:$0x0] =	wrdreg $0x0  }
0xa8: {  	s5 =	sshll.u32 s28, $0x1;
	[dreg:$0x2] =	wrdreg s3  }
0xa9: {  	[dreg:$0x3] =	wrdreg s5  }
0xaa: {  	[dreg:$0x4] =	wrdreg $0xC0  }
0xab: {  	_ =	task [dreg:s7], $0x5FFFF  }
0xac: {  	[dreg:$0x1] =	wrdreg $0xFFFFFFFF  }
0xad: {  	[dreg:$0x0] =	wrdreg $0x60  }
0xae: {  	[dreg:$0x2] =	wrdreg s2  }
0xaf: {  	[dreg:$0x3] =	wrdreg s24  }
0xb0: {  	[dreg:$0x4] =	wrdreg $0x90000  }
0xb1: {  	[dreg:$0x5] =	wrdreg $0x9  }
0xb2: {  	_ =	task.clear_ibuf [dreg:s7], $0x6FFFF;
	_ =	strace $0x90000049  }
0xb3: {  	s29 =	simm.s32 $0x9;
	_ =	strace $0x8000004B  }
0xb4: {  	_ =	swait.ge [sflag:s29], $0x1  }
0xb5: {  	[sflag:s29] =	ssyncadd.s32 $0xFFFFFFFF  }
0xb6: {  	_ =	strace $0x9000004B  }
0xb7: {  	_ =	sfence  }
0xb8: {  	s30 =	sld [smem:$0x0];
	_ =	sdelay $0x2  }
0xb9: {  	s31 =	sshll.u32 s1, $0xD;
	s1 =	sshrl.u32 s1, $0x2  }
0xba: {  	s3 =	sand.u32 $0x4000, s31;
	s1 =	sadd.s32 s1, s30  }
0xbb: {  	s0 =	sor.u32 s3, s0;
	s1 =	sshll.u32 s1, $0x11  }
0xbc: {  	s0 =	sor.u32 s1, s0  }
0xbd: {  	s0 =	sadd.s32 $0x8F2B, s0  }
0xbe: {  	[sflag:s0] =	ssyncadd.remote.s32 $0x1  }
0xbf: {  	_ =	sfence.sel $0xFFFF  }
0xc0: {  	[dreg:$0x0] =	wrdreg $0xFFFFFFFF;
	(pc) =	sbr.abs _section_cstart, $3  }
0xc1: {  	[dreg:$0x1] =	wrdreg $0xFFFFFFFF  }
0xc2: {  	_ =	task.clear_ibuf [dreg:s7], $0x2FFFF;
	_ =	strace $0x9FFFFFFF  }
0xc3: {  	(tm) =	ssettm $0x7FFFFFFF  }
tec
execute0_lowered:
.L_overlay_start_1:
0x0: {  	(tag) =	ssettag $0x1  }
0x1: {  	s2 =	rddreg [dreg:$0x0]  }
0x2: {  	s0 =	rddreg [dreg:$0x1]  }
0x3: {  	s3 =	rddreg [dreg:$0x2];
	s12 =	stileid.u32  }
0x4: {  	s1 =	srdreg.scid;
	s6 =	simm.s32 $0x0;
	s16 =	simm.s32 $0x4  }
0x5: {  	s18 =	simm.s32 $0x80;
	s14 =	simm.s32 $0x3;
	s28 =	simm.s32 $0x600  }
0x6: {  	s29 =	simm.s32 $0xD80;
	s30 =	simm.s32 $0x680;
	s4 =	smul.u32 $0x3, s12  }
0x7: {  	s31 =	simm.s32 $0xE00;
	s17 =	simm.s32 $0x780;
	s5 =	smul.u32 $0x11, s12  }
0x8: {  	s1 =	sand.u32 $0x1, s1;
	[smem:$0x7FF] =	sst s6;
	s19 =	smul.u32 $0x50000, s12  }
0x9: {  	s20 =	sadd.s32 $0x1E00, s0;
	s22 =	sshll.u32 s12, $0x6;
	s8 =	smul.u32 $0x14000, s12  }
0xa: {  	p0 =	seq.s32 s1, $0x0;
	_ =	strace $0x8000004A;
	[dreg:$0x4] =	wrdreg s20  }
0xb: {  	s21 =	ssub.s32 $0x2, s1;
	s1 =	smul.u32 $0x138800, s1;
	s15 =	sor.u32 $0x1C04, s22  }
0xc: {  	s20 =	simm.s32 $0x5000;
	s22 =	simm.s32 $0x0;
	s4 =	sadd.s32 $0x110, s4  }
0xd: {  	s7 =	sshrl.u32 s21, $0x1;
	[dreg:$0x6] =	wrdreg s15;
	s4 =	smov.u32 @p0 s5  }
0xe: {  	s5 =	sshrl.u32 s19, $0x2;
	s6 =	ssub.s32 s21, s7;
	s7 =	simm.s32 $0x11  }
0xf: {  	s23 =	sadd.s32 s8, s1;
	s1 =	sshrl.u32 s1, $0x3;
	s19 =	simm.s32 $0x1000  }
0x10: {  	s21 =	simm.s32 $0x1;
	s4 =	sshll.u32 s4, $0x7;
	s13 =	sadd.s32 s5, s3  }
0x11: {  	s7 =	simm.s32 @!p0 $0x3;
	s25 =	smax.u32 s6, $0x1;
	p0 =	seq.s32 s12, $0xF  }
0x12: {  	s5 =	simm.s32 $0xF00;
	s6 =	simm.s32 $0xF80;
	s12 =	simm.s32 $0x0  }
0x13: {  	s4 =	sadd.s32 s4, s0;
	s0 =	sadd.s32 $0x1FC00, s0;
	[dreg:$0x9] =	wrdreg s25  }
0x14: {  	s11 =	sadd.s32 $0xFFFFFFFF, s7;
	[dreg:$0x5] =	wrdreg s13;
	s26 =	sshrl.u32 s13, $0x3  }
0x15: {  	s9 =	sadd.s32 $0x15C00, s4;
	s10 =	sadd.s32 $0xBC00, s4;
	s4 =	sshrl.u32 s23, $0x3  }
.Ltmp0:
0x16: {  	s1 =	sadd.s32 s0, s1;
	[dreg:$0xa] =	wrdreg s26;
	(pc) =	sbr.rel .LBB2_1-.Ltmp0, $4  }
0x17: {  	s23 =	simm.s32 $0x2;
	s26 =	simm.s32 $0xD00;
	s0 =	sadd.s32 s0, s4  }
0x18: {  	s24 =	sadd.s32 $0x25800, s1;
	[dreg:$0x7] =	wrdreg s0;
	s0 =	sadd.s32 $0x12C000, s3  }
0x19: {  	s1 =	simm.s32 $0x700;
	[dreg:$0x8] =	wrdreg s24;
	s0 =	sshrl.u32 @p0 s0, $0x3  }
0x1a: {  	s24 =	simm.s32 $0x580;
	[dreg:$0xb] =	wrdreg s0;
	s0 =	simm.s32 $0xE80  }
.LBB2_7:
0x1b: {  	[bflag:$0x0] =	sbarrier.arrive $0xFFFF  }
0x1c: {  	s15 =	rddreg [dreg:$0x6]  }
0x1d: {  	s4 =	rddreg [dreg:$0x8]  }
0x1e: {  	s8 =	rddreg [dreg:$0xb]  }
0x1f: {  	[hbm:s4], [sflag:s15] =	dma.local @p0 [spmem:s8], $0x1900  }
0x20: {  	s4 =	simm.s32 @p0 $0x4  }
0x21: {  	_ =	swait.ge @p0 [sflag:s4], $0x1900  }
0x22: {  	[sflag:s4] =	ssyncset.done @p0 $0x0  }
0x23: {  	[sflag:s4] =	ssyncadd.s32 @p0 $0xFFFFE700;
	s4 =	rddreg [dreg:$0x5]  }
0x24: {  	s8 =	rddreg [dreg:$0x7];
	s4 =	sshrl.u32 @!p0 s4, $0x3  }
0x25: {  	[hbm:s8], [sflag:s15] =	dma.local @!p0 [spmem:s4], $0x2800  }
0x26: {  	s4 =	simm.s32 @!p0 $0x4  }
0x27: {  	_ =	swait.ge @!p0 [sflag:s4], $0x2800  }
0x28: {  	s12 =	rddreg [dreg:$0xc]  }
0x29: {  	s25 =	rddreg [dreg:$0x9];
	s12 =	sadd.s32 $0x1, s12  }
0x2a: {  	p1 =	sne.s32 s12, s25  }
.Ltmp1:
0x2b: {  	_ = 	snop;
	(pc) =	sbr.rel @!p1 .LBB2_8-.Ltmp1, $3  }
0x2c: {  	_ =	sdelay $0x1  }
0x2d: {  	[sflag:s4] =	ssyncset.done @!p0 $0x0  }
0x2e: {  	[sflag:s4] =	ssyncadd.s32 @!p0 $0xFFFFD800  }
.LBB2_1:
0x2f: {  	[dreg:$0xc] =	wrdreg s12  }
0x30: {  	s4 =	rddreg [dreg:$0x4]  }
0x31: {  	s8 =	rddreg [dreg:$0xa]  }
0x32: {  	[spmem:s8], [sflag:s15] =	dma.local [hbm:s4], $0x2800  }
0x33: {  	_ =	swait.ge [sflag:s16], $0x2800  }
0x34: {  	[sflag:s16] =	ssyncset.done $0x0  }
0x35: {  	[sflag:s16] =	ssyncadd.s32 $0xFFFFD800  }
0x36: {  	s15 =	simm.s32 $0x0;
	[bflag:$0x0] =	sbarrier.arrive $0xFFFF  }
0x37: {  	[tilespmem:s15], [sflag:$0x4] =	stream.linear.gather [hbm4b:s9+s15], $0x400, $0x38;
	[tilespmem:$0x1D000] =	vst v63  }
0x38: {  	_ =	swait.ge [sflag:s16], $0x400  }
0x39: {  	[sflag:s16] =	ssyncset.done $0x0  }
.Ltmp2:
0x3a: {  	s25 =	simm.s32 $0x800;
	[sflag:s16] =	ssyncadd.s32 $0xFFFFFC00;
	(pc) =	sbr.rel .LBB2_2-.Ltmp2, $4  }
0x3b: {  	[tilespmem:s25], [sflag:$0x4] =	stream.linear.gather [hbm4b:s10+s15], $0x400, $0x38;
	[tilespmem:$0x1D000] =	vst v63  }
0x3c: {  	_ =	swait.ge [sflag:s16], $0x400  }
0x3d: {  	[sflag:s16] =	ssyncset.done $0x0  }
0x3e: {  	s12 =	simm.s32 $0x2;
	s13 =	simm.s32 $0x0;
	[sflag:s16] =	ssyncadd.s32 $0xFFFFFC00  }
.LBB2_6:
0x3f: {  	s13 =	sadd.s32 $0x100, s13  }
0x40: {  	p1 =	sne.s32 s13, $0x900  }
.Ltmp3:
0x41: {  	_ = 	snop;
	(pc) =	sbr.rel @!p1 .LBB2_7-.Ltmp3, $2  }
0x42: {  	_ =	sdelay $0x2  }
0x43: {  	s12 =	sadd.s32 $0x2, s12  }
.LBB2_2:
0x44: {  	s15 =	sadd.s32 $0xFFFFFFFE, s12  }
0x45: {  	p1 =	sge.u32 s15, s7  }
.Ltmp4:
0x46: {  	_ = 	snop;
	(pc) =	sbr.rel @p1 .LBB2_4-.Ltmp4, $1  }
0x47: {  	_ =	sdelay $0x3  }
0x48: {  	p1 =	seq.s32 s13, $0x0  }
0x49: {  	s25 =	simm.s32 @!p1 $0x3  }
0x4a: {  	_ =	swait.ge @!p1 [sflag:s25], $0x400  }
0x4b: {  	[sflag:s25] =	ssyncset.done @!p1 $0x0  }
0x4c: {  	s8 =	sadd.s32 $0xFFFFFFFF, s12;
	[sflag:s25] =	ssyncadd.s32 @!p1 $0xFFFFFC00  }
0x4d: {  	p2 =	sge.u32 s8, s7;
	_ =	swait.ge @!p1 [sflag:s25], $0x400  }
0x4e: {  	s8 =	sadd.s32 @!p2 s13, s9;
	s4 =	simm.s32 @!p2 $0x400;
	[sflag:s25] =	ssyncset.done @!p1 $0x0  }
0x4f: {  	s8 =	sadd.s32 @!p2 $0x80, s8;
	[sflag:s25] =	ssyncadd.s32 @!p1 $0xFFFFFC00;
	s25 =	simm.s32 @!p2 $0x0  }
0x50: {  	[tilespmem:s4], [sflag:$0x3] =	stream.linear.gather @!p2 [hbm4b:s8+s25], $0x400, $0x38;
	[tilespmem:$0x1D000] =	vst v63  }
0x51: {  	s4 =	sadd.s32 @!p2 s13, s10  }
0x52: {  	s8 =	simm.s32 @!p2 $0xC00;
	s4 =	sadd.s32 @!p2 $0x80, s4  }
0x53: {  	[tilespmem:s8], [sflag:$0x3] =	stream.linear.gather @!p2 [hbm4b:s4+s25], $0x400, $0x38;
	[tilespmem:$0x1D000] =	vst v63  }
0x54: {  	_ = 	snop  }
0x55: {  	[tilespmem:s19], [sflag:$0x1] =	stream.indirect.gather [hbm4b:s2+s18], $0x80, s22, s18, $0xb8;
	[tilespmem:$0x1D000] =	vst v63  }
0x56: {  	_ = 	snop  }
0x57: {  	[tilespmem:s20], [sflag:$0x2] =	stream.indirect.gather [hbm4b:s2+s18], $0x80, s18, s18, $0xb8;
	[tilespmem:$0x1D000] =	vst v63  }
0x58: {  	_ =	swait.ge [sflag:s21], $0x4000  }
0x59: {  	[sflag:s21] =	ssyncset.done $0x0  }
0x5a: {  	s8 =	simm.s32 $0x800;
	[sflag:s21] =	ssyncadd.s32 $0xFFFFC000  }
0x5b: {  	[spmem:s3] =	stream.indirect.scatter.add.f32 [tilespmem:s19], [sflag:$0x4], $0x80, s8, s18, $0xb8;
	[tilespmem:$0x1D000] =	vst v63  }
0x5c: {  	_ =	swait.ge [sflag:s16], $0x4000  }
0x5d: {  	[sflag:s16] =	ssyncset.done $0x0  }
0x5e: {  	s25 =	simm.s32 $0x100;
	[sflag:s16] =	ssyncadd.s32 $0xFFFFC000  }
0x5f: {  	[tilespmem:s19], [sflag:$0x1] =	stream.indirect.gather [hbm4b:s2+s18], $0x80, s25, s18, $0xb8;
	[tilespmem:$0x1D000] =	vst v63  }
0x60: {  	_ =	swait.ge [sflag:s23], $0x4000  }
0x61: {  	[sflag:s23] =	ssyncset.done $0x0  }
0x62: {  	s8 =	simm.s32 $0x880;
	[sflag:s23] =	ssyncadd.s32 $0xFFFFC000  }
0x63: {  	[spmem:s3] =	stream.indirect.scatter.add.f32 [tilespmem:s20], [sflag:$0x4], $0x80, s8, s18, $0xb8;
	[tilespmem:$0x1D000] =	vst v63  }
0x64: {  	_ =	swait.ge [sflag:s16], $0x4000  }
0x65: {  	[sflag:s16] =	ssyncset.done $0x0  }
0x66: {  	s25 =	simm.s32 $0x180;
	[sflag:s16] =	ssyncadd.s32 $0xFFFFC000  }
0x67: {  	[tilespmem:s20], [sflag:$0x2] =	stream.indirect.gather [hbm4b:s2+s18], $0x80, s25, s18, $0xb8;
	[tilespmem:$0x1D000] =	vst v63  }
0x68: {  	_ =	swait.ge [sflag:s21], $0x4000  }
0x69: {  	[sflag:s21] =	ssyncset.done $0x0  }
0x6a: {  	s8 =	simm.s32 $0x900;
	[sflag:s21] =	ssyncadd.s32 $0xFFFFC000  }
0x6b: {  	[spmem:s3] =	stream.indirect.scatter.add.f32 [tilespmem:s19], [sflag:$0x4], $0x80, s8, s18, $0xb8;
	[tilespmem:$0x1D000] =	vst v63  }
0x6c: {  	_ =	swait.ge [sflag:s16], $0x4000  }
0x6d: {  	[sflag:s16] =	ssyncset.done $0x0  }
0x6e: {  	s25 =	simm.s32 $0x200;
	[sflag:s16] =	ssyncadd.s32 $0xFFFFC000  }
0x6f: {  	[tilespmem:s19], [sflag:$0x1] =	stream.indirect.gather [hbm4b:s2+s18], $0x80, s25, s18, $0xb8;
	[tilespmem:$0x1D000] =	vst v63  }
0x70: {  	_ =	swait.ge [sflag:s23], $0x4000  }
0x71: {  	[sflag:s23] =	ssyncset.done $0x0  }
0x72: {  	s8 =	simm.s32 $0x980;
	[sflag:s23] =	ssyncadd.s32 $0xFFFFC000  }
0x73: {  	[spmem:s3] =	stream.indirect.scatter.add.f32 [tilespmem:s20], [sflag:$0x4], $0x80, s8, s18, $0xb8;
	[tilespmem:$0x1D000] =	vst v63  }
0x74: {  	_ =	swait.ge [sflag:s16], $0x4000  }
0x75: {  	[sflag:s16] =	ssyncset.done $0x0  }
0x76: {  	s25 =	simm.s32 $0x280;
	[sflag:s16] =	ssyncadd.s32 $0xFFFFC000  }
0x77: {  	[tilespmem:s20], [sflag:$0x2] =	stream.indirect.gather [hbm4b:s2+s18], $0x80, s25, s18, $0xb8;
	[tilespmem:$0x1D000] =	vst v63  }
0x78: {  	_ =	swait.ge [sflag:s21], $0x4000  }
0x79: {  	[sflag:s21] =	ssyncset.done $0x0  }
0x7a: {  	s8 =	simm.s32 $0xA00;
	[sflag:s21] =	ssyncadd.s32 $0xFFFFC000  }
0x7b: {  	[spmem:s3] =	stream.indirect.scatter.add.f32 [tilespmem:s19], [sflag:$0x4], $0x80, s8, s18, $0xb8;
	[tilespmem:$0x1D000] =	vst v63  }
0x7c: {  	_ =	swait.ge [sflag:s16], $0x4000  }
0x7d: {  	[sflag:s16] =	ssyncset.done $0x0  }
0x7e: {  	s25 =	simm.s32 $0x300;
	[sflag:s16] =	ssyncadd.s32 $0xFFFFC000  }
0x7f: {  	[tilespmem:s19], [sflag:$0x1] =	stream.indirect.gather [hbm4b:s2+s18], $0x80, s25, s18, $0xb8;
	[tilespmem:$0x1D000] =	vst v63  }
0x80: {  	_ =	swait.ge [sflag:s23], $0x4000  }
0x81: {  	[sflag:s23] =	ssyncset.done $0x0  }
0x82: {  	s8 =	simm.s32 $0xA80;
	[sflag:s23] =	ssyncadd.s32 $0xFFFFC000  }
0x83: {  	[spmem:s3] =	stream.indirect.scatter.add.f32 [tilespmem:s20], [sflag:$0x4], $0x80, s8, s18, $0xb8;
	[tilespmem:$0x1D000] =	vst v63  }
0x84: {  	_ =	swait.ge [sflag:s16], $0x4000  }
0x85: {  	[sflag:s16] =	ssyncset.done $0x0  }
0x86: {  	s25 =	simm.s32 $0x380;
	[sflag:s16] =	ssyncadd.s32 $0xFFFFC000  }
0x87: {  	[tilespmem:s20], [sflag:$0x2] =	stream.indirect.gather [hbm4b:s2+s18], $0x80, s25, s18, $0xb8;
	[tilespmem:$0x1D000] =	vst v63  }
0x88: {  	_ =	swait.ge [sflag:s21], $0x4000  }
0x89: {  	[sflag:s21] =	ssyncset.done $0x0  }
0x8a: {  	s8 =	simm.s32 $0xB00;
	[sflag:s21] =	ssyncadd.s32 $0xFFFFC000  }
0x8b: {  	[spmem:s3] =	stream.indirect.scatter.add.f32 [tilespmem:s19], [sflag:$0x4], $0x80, s8, s18, $0xb8;
	[tilespmem:$0x1D000] =	vst v63  }
0x8c: {  	_ =	swait.ge [sflag:s16], $0x4000  }
0x8d: {  	[sflag:s16] =	ssyncset.done $0x0  }
0x8e: {  	[sflag:s16] =	ssyncadd.s32 $0xFFFFC000  }
0x8f: {  	_ =	swait.ge [sflag:s23], $0x4000  }
0x90: {  	[sflag:s23] =	ssyncset.done $0x0  }
0x91: {  	s25 =	simm.s32 $0xB80;
	[sflag:s23] =	ssyncadd.s32 $0xFFFFC000  }
0x92: {  	[spmem:s3] =	stream.indirect.scatter.add.f32 [tilespmem:s20], [sflag:$0x4], $0x80, s25, s18, $0xb8;
	[tilespmem:$0x1D000] =	vst v63  }
0x93: {  	_ =	swait.ge [sflag:s16], $0x4000  }
0x94: {  	[sflag:s16] =	ssyncset.done $0x0  }
0x95: {  	[sflag:s16] =	ssyncadd.s32 $0xFFFFC000  }
.LBB2_4:
0x96: {  	p1 =	sge.u32 s15, s11  }
.Ltmp5:
0x97: {  	_ = 	snop;
	(pc) =	sbr.rel @p1 .LBB2_6-.Ltmp5, $1  }
0x98: {  	_ =	sdelay $0x3  }
0x99: {  	_ =	swait.ge [sflag:s14], $0x400  }
0x9a: {  	[sflag:s14] =	ssyncset.done $0x0  }
0x9b: {  	[sflag:s14] =	ssyncadd.s32 $0xFFFFFC00  }
0x9c: {  	p1 =	sge.u32 s12, s7;
	_ =	swait.ge [sflag:s14], $0x400  }
0x9d: {  	s4 =	sadd.s32 @!p1 s13, s9;
	[sflag:s14] =	ssyncset.done $0x0  }
0x9e: {  	s8 =	simm.s32 @!p1 $0x0;
	s4 =	sadd.s32 @!p1 $0x100, s4;
	[sflag:s14] =	ssyncadd.s32 $0xFFFFFC00  }
0x9f: {  	[tilespmem:s8], [sflag:$0x3] =	stream.linear.gather @!p1 [hbm4b:s4+s8], $0x400, $0x38;
	[tilespmem:$0x1D000] =	vst v63  }
0xa0: {  	s4 =	sadd.s32 @!p1 s13, s10  }
0xa1: {  	s15 =	simm.s32 @!p1 $0x800;
	s4 =	sadd.s32 @!p1 $0x100, s4  }
0xa2: {  	[tilespmem:s15], [sflag:$0x3] =	stream.linear.gather @!p1 [hbm4b:s4+s8], $0x400, $0x38;
	[tilespmem:$0x1D000] =	vst v63  }
0xa3: {  	s15 =	simm.s32 $0x400  }
0xa4: {  	[tilespmem:s19], [sflag:$0x1] =	stream.indirect.gather [hbm4b:s2+s18], $0x80, s15, s18, $0xb8;
	[tilespmem:$0x1D000] =	vst v63  }
0xa5: {  	s25 =	simm.s32 $0x480  }
0xa6: {  	[tilespmem:s20], [sflag:$0x2] =	stream.indirect.gather [hbm4b:s2+s18], $0x80, s25, s18, $0xb8;
	[tilespmem:$0x1D000] =	vst v63  }
0xa7: {  	_ =	swait.ge [sflag:s21], $0x4000  }
0xa8: {  	[sflag:s21] =	ssyncset.done $0x0  }
0xa9: {  	s8 =	simm.s32 $0xC00;
	[sflag:s21] =	ssyncadd.s32 $0xFFFFC000  }
0xaa: {  	[spmem:s3] =	stream.indirect.scatter.add.f32 [tilespmem:s19], [sflag:$0x4], $0x80, s8, s18, $0xb8;
	[tilespmem:$0x1D000] =	vst v63  }
0xab: {  	_ =	swait.ge [sflag:s16], $0x4000  }
0xac: {  	[sflag:s16] =	ssyncset.done $0x0  }
0xad: {  	s15 =	simm.s32 $0x500;
	[sflag:s16] =	ssyncadd.s32 $0xFFFFC000  }
0xae: {  	[tilespmem:s19], [sflag:$0x1] =	stream.indirect.gather [hbm4b:s2+s18], $0x80, s15, s18, $0xb8;
	[tilespmem:$0x1D000] =	vst v63  }
0xaf: {  	_ =	swait.ge [sflag:s23], $0x4000  }
0xb0: {  	[sflag:s23] =	ssyncset.done $0x0  }
0xb1: {  	s25 =	simm.s32 $0xC80;
	[sflag:s23] =	ssyncadd.s32 $0xFFFFC000  }
0xb2: {  	[spmem:s3] =	stream.indirect.scatter.add.f32 [tilespmem:s20], [sflag:$0x4], $0x80, s25, s18, $0xb8;
	[tilespmem:$0x1D000] =	vst v63  }
0xb3: {  	_ =	swait.ge [sflag:s16], $0x4000  }
0xb4: {  	[sflag:s16] =	ssyncset.done $0x0  }
0xb5: {  	[sflag:s16] =	ssyncadd.s32 $0xFFFFC000  }
0xb6: {  	[tilespmem:s20], [sflag:$0x2] =	stream.indirect.gather [hbm4b:s2+s18], $0x80, s24, s18, $0xb8;
	[tilespmem:$0x1D000] =	vst v63  }
0xb7: {  	_ =	swait.ge [sflag:s21], $0x4000  }
0xb8: {  	[sflag:s21] =	ssyncset.done $0x0  }
0xb9: {  	[sflag:s21] =	ssyncadd.s32 $0xFFFFC000  }
0xba: {  	[spmem:s3] =	stream.indirect.scatter.add.f32 [tilespmem:s19], [sflag:$0x4], $0x80, s26, s18, $0xb8;
	[tilespmem:$0x1D000] =	vst v63  }
0xbb: {  	_ =	swait.ge [sflag:s16], $0x4000  }
0xbc: {  	[sflag:s16] =	ssyncset.done $0x0  }
0xbd: {  	[sflag:s16] =	ssyncadd.s32 $0xFFFFC000  }
0xbe: {  	[tilespmem:s19], [sflag:$0x1] =	stream.indirect.gather [hbm4b:s2+s18], $0x80, s28, s18, $0xb8;
	[tilespmem:$0x1D000] =	vst v63  }
0xbf: {  	_ =	swait.ge [sflag:s23], $0x4000  }
0xc0: {  	[sflag:s23] =	ssyncset.done $0x0  }
0xc1: {  	[sflag:s23] =	ssyncadd.s32 $0xFFFFC000  }
0xc2: {  	[spmem:s3] =	stream.indirect.scatter.add.f32 [tilespmem:s20], [sflag:$0x4], $0x80, s29, s18, $0xb8;
	[tilespmem:$0x1D000] =	vst v63  }
0xc3: {  	_ =	swait.ge [sflag:s16], $0x4000  }
0xc4: {  	[sflag:s16] =	ssyncset.done $0x0  }
0xc5: {  	[sflag:s16] =	ssyncadd.s32 $0xFFFFC000  }
0xc6: {  	[tilespmem:s20], [sflag:$0x2] =	stream.indirect.gather [hbm4b:s2+s18], $0x80, s30, s18, $0xb8;
	[tilespmem:$0x1D000] =	vst v63  }
0xc7: {  	_ =	swait.ge [sflag:s21], $0x4000  }
0xc8: {  	[sflag:s21] =	ssyncset.done $0x0  }
0xc9: {  	[sflag:s21] =	ssyncadd.s32 $0xFFFFC000  }
0xca: {  	[spmem:s3] =	stream.indirect.scatter.add.f32 [tilespmem:s19], [sflag:$0x4], $0x80, s31, s18, $0xb8;
	[tilespmem:$0x1D000] =	vst v63  }
0xcb: {  	_ =	swait.ge [sflag:s16], $0x4000  }
0xcc: {  	[sflag:s16] =	ssyncset.done $0x0  }
0xcd: {  	[sflag:s16] =	ssyncadd.s32 $0xFFFFC000  }
0xce: {  	[tilespmem:s19], [sflag:$0x1] =	stream.indirect.gather [hbm4b:s2+s18], $0x80, s1, s18, $0xb8;
	[tilespmem:$0x1D000] =	vst v63  }
0xcf: {  	_ =	swait.ge [sflag:s23], $0x4000  }
0xd0: {  	[sflag:s23] =	ssyncset.done $0x0  }
0xd1: {  	[sflag:s23] =	ssyncadd.s32 $0xFFFFC000  }
0xd2: {  	[spmem:s3] =	stream.indirect.scatter.add.f32 [tilespmem:s20], [sflag:$0x4], $0x80, s0, s18, $0xb8;
	[tilespmem:$0x1D000] =	vst v63  }
0xd3: {  	_ =	swait.ge [sflag:s16], $0x4000  }
0xd4: {  	[sflag:s16] =	ssyncset.done $0x0  }
0xd5: {  	[sflag:s16] =	ssyncadd.s32 $0xFFFFC000  }
0xd6: {  	[tilespmem:s20], [sflag:$0x2] =	stream.indirect.gather [hbm4b:s2+s18], $0x80, s17, s18, $0xb8;
	[tilespmem:$0x1D000] =	vst v63  }
0xd7: {  	_ =	swait.ge [sflag:s21], $0x4000  }
0xd8: {  	[sflag:s21] =	ssyncset.done $0x0  }
0xd9: {  	[sflag:s21] =	ssyncadd.s32 $0xFFFFC000  }
0xda: {  	[spmem:s3] =	stream.indirect.scatter.add.f32 [tilespmem:s19], [sflag:$0x4], $0x80, s5, s18, $0xb8;
	[tilespmem:$0x1D000] =	vst v63  }
0xdb: {  	_ =	swait.ge [sflag:s16], $0x4000  }
0xdc: {  	[sflag:s16] =	ssyncset.done $0x0  }
0xdd: {  	[sflag:s16] =	ssyncadd.s32 $0xFFFFC000  }
0xde: {  	_ =	swait.ge [sflag:s23], $0x4000  }
0xdf: {  	[sflag:s23] =	ssyncset.done $0x0  }
.Ltmp6:
0xe0: {  	[sflag:s23] =	ssyncadd.s32 $0xFFFFC000;
	(pc) =	sbr.rel .LBB2_6-.Ltmp6, $4  }
0xe1: {  	[spmem:s3] =	stream.indirect.scatter.add.f32 [tilespmem:s20], [sflag:$0x4], $0x80, s6, s18, $0xb8;
	[tilespmem:$0x1D000] =	vst v63  }
0xe2: {  	_ =	swait.ge [sflag:s16], $0x4000  }
0xe3: {  	[sflag:s16] =	ssyncset.done $0x0  }
0xe4: {  	[sflag:s16] =	ssyncadd.s32 $0xFFFFC000  }
.LBB2_8:
0xe5: {  	_ =	sfence.sel $0x180000  }
0xe6: {  	[bflag:$0x0] =	sbarrier.arrive $0xFFFF  }
0xe7: {  	_ =	strace $0x9000004A  }
0xe8: {  	s0 =	stileid.u32;
	[bflag:$0x2] =	sbarrier.arrive $0xFFFF  }
0xe9: {  	p0 =	sne.s32 s0, $0x0;
	s0 =	rddreg [dreg:$0x3]  }
0xea: {  	s0 =	sadd.s32 @!p0 $0x100000, s0  }
0xeb: {  	[sflag:s0] =	ssyncadd.tile.s32 @!p0 $0x1;
	_ =	shalt  }
.Lfunc_end2:
_tile_overlayer_lowered:
.L_overlay_start_2:
0xec: {  	(tag) =	ssettag $0x2  }
0xed: {  	s0 =	rddreg [dreg:$0x0];
	s2 =	stileid.u32  }
0xee: {  	s1 =	rddreg [dreg:$0x1];
	p0 =	sne.s32 s2, $0x0  }
0xef: {  	s3 =	rddreg [dreg:$0x2];
	[bflag:$0x3] =	sbarrier.arrive $0xFFFF;
	s2 =	simm.s32 @!p0 $0x1C04  }
0xf0: {  	[timem:s3], [sflag:s2] =	dma.local @!p0 [hbm:s0], s1  }
0xf1: {  	s0 =	simm.s32 @!p0 $0x4  }
0xf2: {  	_ =	swait.ge @!p0 [sflag:s0], s1  }
0xf3: {  	s1 =	ssub.s32 @!p0 $0x0, s1;
	[sflag:s0] =	ssyncset.done @!p0 $0x0  }
0xf4: {  	[sflag:s0] =	ssyncadd.s32 @!p0 s1  }
0xf5: {  	[bflag:$0x3] =	sbarrier.arrive $0xFFFF  }
0xf6: {  	_ =	shalt  }

</sc_bundles>
